<compile_context>
chip_gen: v7x
topology: tpu7x:2x2x1
jax: 0.10.2.dev20260603
libtpu: 0.0.44.dev20260713+nightly
codegen_flags: <defaults>
</compile_context>

<pallas_src>
import functools

import jax
import jax.numpy as jnp
from jax import lax
from jax.experimental import pallas as pl
from jax.experimental.pallas import tpu as pltpu
from jax.experimental.pallas import tpu_sc as plsc

B, L, VOCAB, DIM = 4096, 200, 8, 4
N = B * L
LANES = 128
UNITS = L * (B // LANES)


def _make_sc_call(num_cores, num_subcores):
  NW = num_cores * num_subcores
  UPW = UNITS // NW
  UB = 20
  NBLK = UPW // UB
  NSUP = NBLK // 2
  IDX_BLK = UB * LANES
  OUT_BLK = UB * LANES * VOCAB

  mesh = plsc.VectorSubcoreMesh(
      core_axis_name="c", subcore_axis_name="s",
      num_cores=num_cores, num_subcores=num_subcores)

  @functools.partial(
      pl.kernel,
      out_type=jax.ShapeDtypeStruct((N * VOCAB,), jnp.float32),
      mesh=mesh,
      scratch_types=[
          pltpu.VMEM((VOCAB * VOCAB, 16), jnp.float32),
          pltpu.VMEM((IDX_BLK,), jnp.int32),
          pltpu.VMEM((IDX_BLK,), jnp.int32),
          pltpu.VMEM((OUT_BLK,), jnp.float32),
          pltpu.VMEM((OUT_BLK,), jnp.float32),
          pltpu.SemaphoreType.DMA,
          pltpu.SemaphoreType.DMA,
          pltpu.SemaphoreType.DMA,
          pltpu.SemaphoreType.DMA,
      ],
      compiler_params=pltpu.CompilerParams(needs_layout_passes=False),
  )
  def call(idx_hbm, w_hbm, out_hbm, g_rep, idx_v0, idx_v1, out_v0, out_v1,
           sin0, sin1, sout0, sout1):
    idx_bufs = (idx_v0, idx_v1)
    out_bufs = (out_v0, out_v1)
    sins = (sin0, sin1)
    souts = (sout0, sout1)

    wid = lax.axis_index("s") * num_cores + lax.axis_index("c")
    lane = lax.iota(jnp.int32, 16)
    half = lane // 8
    col8 = lane & 7

    def build_gram(w_v):
      pltpu.sync_copy(w_hbm, w_v)
      for q in range(4):
        evec = 16 * q + lane
        ivec = 2 * q + half
        acc = jnp.zeros((16,), jnp.float32)
        for d in range(DIM):
          dvec = jnp.full((16,), d, jnp.int32)
          a = plsc.load_gather(w_v, [ivec, dvec])
          b = plsc.load_gather(w_v, [col8, dvec])
          acc = acc + a * b
        for rep in range(16):
          plsc.store_scatter(g_rep, [evec, jnp.full((16,), rep, jnp.int32)],
                             acc)

    pl.run_scoped(build_gram, pltpu.VMEM((VOCAB, DIM), jnp.float32))

    tile_tok0 = wid * (UPW * LANES)

    def in_src(blk):
      return idx_hbm.at[pl.ds(tile_tok0 + blk * IDX_BLK, IDX_BLK)]

    def out_dst(blk):
      return out_hbm.at[pl.ds((tile_tok0 + blk * IDX_BLK) * VOCAB, OUT_BLK)]

    for b in range(2):
      pltpu.async_copy(in_src(b), idx_bufs[b], sins[b])

    def super_body(s, _):
      for b in range(2):
        blk = s * 2 + b
        idx_v = idx_bufs[b]
        out_v = out_bufs[b]
        pltpu.make_async_copy(in_src(0), idx_v, sins[b]).wait()

        @pl.when(s >= 1)
        def _wait_out():
          pltpu.make_async_copy(out_v, out_dst(0), souts[b]).wait()

        @plsc.parallel_loop(0, UB * (LANES // 16), unroll=8)
        def _grp(t):
          u = lax.shift_right_logical(t, 3)
          g = t & 7
          vidx = idx_v[pl.ds(t * 16, 16)]
          e8 = vidx * VOCAB
          for v in range(VOCAB):
            vals = plsc.load_gather(g_rep, [e8 + v, lane])
            out_v[pl.ds(u * (LANES * VOCAB) + v * LANES + g * 16, 16)] = vals

        pltpu.async_copy(out_v, out_dst(blk), souts[b])

        @pl.when(s <= NSUP - 2)
        def _next_in():
          pltpu.async_copy(in_src(blk + 2), idx_v, sins[b])

      return 0

    lax.fori_loop(0, NSUP, super_body, 0)
    for b in range(2):
      pltpu.make_async_copy(out_bufs[b], out_dst(0), souts[b]).wait()

  return call


def kernel(indices, W):
  idx_t = jnp.swapaxes(indices.astype(jnp.int32), 0, 1).reshape(-1)
  info = plsc.get_sparse_core_info()
  call = _make_sc_call(info.num_cores, info.num_subcores)
  flat = call(idx_t, W)
  return (flat.reshape(L, B // LANES, VOCAB, LANES)
          .transpose(1, 3, 0, 2)
          .reshape(B, L, VOCAB))

# --- scband reference (transcript-rebuilt; emitter-appended) ---
"""Pipeline reference for scband-tiny-tied-model-57561151701325 (READ-ONLY COPY).

The authoritative reference and input builder live on the scoring server;
editing this copy changes nothing except your own understanding.
"""

import jax, jax.numpy as jnp
import numpy as np

VOCAB = 8
DIM = 4

def setup_inputs(seed: int = 0) -> dict:
    key = jax.random.key(seed)
    k_idx, k_w = jax.random.split(key)
    indices = jax.random.randint(k_idx, (4096, 200), 0, VOCAB, dtype=jnp.int64) if jax.config.jax_enable_x64 else jax.random.randint(k_idx, (4096, 200), 0, VOCAB, dtype=jnp.int32)
    W = jax.random.normal(k_w, (VOCAB, DIM), dtype=jnp.float32) * 0.02
    return {"indices": indices, "W": W}

def reference(indices, W):
    # TinyTiedModel: embed -> tied lm_head (weight shared)
    emb = jnp.take(W, indices, axis=0)          # [B, L, DIM], embedding gather
    logits = emb @ W.T                           # [B, L, VOCAB], lm_head with tied weight
    return logits

if __name__ == "__main__":
    import jax
    _d = setup_inputs()
    print(jax.jit(kernel)(*tuple(_d.values())))

</pallas_src>

<mosaic_0001>
#map = affine_map<(d0, d1) -> (0)>
#map1 = affine_map<(d0, d1) -> (0, 0)>
module attributes {stable_mosaic.version = 14 : i64} {
  func.func @call(%arg0: i32, %arg1: i32, %arg2: memref<819200xi32, #tpu.memory_space<hbm>>, %arg3: memref<8x4xf32, #tpu.memory_space<hbm>>, %arg4: memref<6553600xf32, #tpu.memory_space<hbm>>, %arg5: memref<64x16xf32, #tpu.memory_space<vmem>>, %arg6: memref<2560xi32, #tpu.memory_space<vmem>>, %arg7: memref<2560xi32, #tpu.memory_space<vmem>>, %arg8: memref<20480xf32, #tpu.memory_space<vmem>>, %arg9: memref<20480xf32, #tpu.memory_space<vmem>>, %arg10: memref<!tpu.dma_semaphore, #tpu.memory_space<semaphore_mem>>, %arg11: memref<!tpu.dma_semaphore, #tpu.memory_space<semaphore_mem>>, %arg12: memref<!tpu.dma_semaphore, #tpu.memory_space<semaphore_mem>>, %arg13: memref<!tpu.dma_semaphore, #tpu.memory_space<semaphore_mem>>) attributes {dimension_semantics = [#tpu.dimension_semantics<core_parallel>, #tpu.dimension_semantics<subcore_parallel>], iteration_bounds = array<i64: 2, 16>, scalar_prefetch = 0 : i64, scratch_operands = 9 : i64, tpu.core_type = #tpu.core_type<sc_vector_subcore>, window_params = [{transform_indices = #map}, {transform_indices = #map1}, {transform_indices = #map}]} {
    %mul3A = arith.constant 2 : i32
    %mul3A_0 = arith.muli %arg1, %mul3A : i32
    %add3A = arith.addi %mul3A_0, %arg0 : i32
    %iota3A = tpu.iota {dimensions = array<i32: 0>} : vector<16xi32>
    %jit3A = arith.constant 8 : i32
    %div3A = vector.broadcast %jit3A : i32 to vector<16xi32>
    %div3A_1 = arith.divsi %iota3A, %div3A : vector<16xi32>
    %sign3A = arith.constant 0 : i32
    %sign3A_2 = vector.broadcast %sign3A : i32 to vector<16xi32>
    %sign3A_3 = arith.cmpi sgt, %iota3A, %sign3A_2 : vector<16xi32>
    %sign3A_4 = arith.extui %sign3A_3 : vector<16xi1> to vector<16xi32>
    %sign3A_5 = arith.constant 0 : i32
    %sign3A_6 = vector.broadcast %sign3A_5 : i32 to vector<16xi32>
    %sign3A_7 = arith.cmpi slt, %iota3A, %sign3A_6 : vector<16xi32>
    %sign3A_8 = arith.extui %sign3A_7 : vector<16xi1> to vector<16xi32>
    %sign3A_9 = arith.subi %sign3A_4, %sign3A_8 : vector<16xi32>
    %sign3A_10 = arith.constant 0 : i32
    %sign3A_11 = arith.cmpi sgt, %jit3A, %sign3A_10 : i32
    %sign3A_12 = arith.extui %sign3A_11 : i1 to i32
    %sign3A_13 = arith.constant 0 : i32
    %sign3A_14 = arith.cmpi slt, %jit3A, %sign3A_13 : i32
    %sign3A_15 = arith.extui %sign3A_14 : i1 to i32
    %sign3A_16 = arith.subi %sign3A_12, %sign3A_15 : i32
    %ne3A = vector.broadcast %sign3A_16 : i32 to vector<16xi32>
    %ne3A_17 = arith.cmpi ne, %sign3A_9, %ne3A : vector<16xi32>
    %rem3A = vector.broadcast %jit3A : i32 to vector<16xi32>
    %rem3A_18 = arith.remsi %iota3A, %rem3A : vector<16xi32>
    %ne3A_19 = arith.constant 0 : i32
    %ne3A_20 = vector.broadcast %ne3A_19 : i32 to vector<16xi32>
    %ne3A_21 = arith.cmpi ne, %rem3A_18, %ne3A_20 : vector<16xi32>
    %and3A = arith.andi %ne3A_17, %ne3A_21 : vector<16xi1>
    %sub3A = arith.constant 1 : i32
    %sub3A_22 = vector.broadcast %sub3A : i32 to vector<16xi32>
    %sub3A_23 = arith.subi %div3A_1, %sub3A_22 : vector<16xi32>
    %select_n3A = arith.select %and3A, %sub3A_23, %div3A_1 : vector<16xi1>, vector<16xi32>
    %and3A_24 = arith.constant 7 : i32
    %and3A_25 = vector.broadcast %and3A_24 : i32 to vector<16xi32>
    %and3A_26 = arith.andi %iota3A, %and3A_25 : vector<16xi32>
    "tpu.region"() ({
      %run_scoped3A = memref.alloca() : memref<8x4xf32, #tpu.memory_space<vmem>>
      "tpu.region"() ({
        %run_scoped3A_307 = tpu.sem_alloc : memref<!tpu.dma_semaphore, #tpu.memory_space<semaphore_mem>>
        tpu.enqueue_dma source(%arg3 : memref<8x4xf32, #tpu.memory_space<hbm>>) target(%run_scoped3A : memref<8x4xf32, #tpu.memory_space<vmem>>) target_semaphore(%run_scoped3A_307 : memref<!tpu.dma_semaphore, #tpu.memory_space<semaphore_mem>>)
        tpu.wait_dma2 semaphore(%run_scoped3A_307 : memref<!tpu.dma_semaphore, #tpu.memory_space<semaphore_mem>>) src(%arg3 : memref<8x4xf32, #tpu.memory_space<hbm>>) dst(%run_scoped3A : memref<8x4xf32, #tpu.memory_space<vmem>>)
        tpu.yield
      }) : () -> ()
      %add3A_53 = arith.constant 0 : i32
      %add3A_54 = vector.broadcast %add3A_53 : i32 to vector<16xi32>
      %add3A_55 = arith.addi %add3A_54, %iota3A : vector<16xi32>
      %add3A_56 = arith.constant 0 : i32
      %add3A_57 = vector.broadcast %add3A_56 : i32 to vector<16xi32>
      %add3A_58 = arith.addi %add3A_57, %select_n3A : vector<16xi32>
      %broadcast_in_dim3A = arith.constant 0.000000e+00 : f32
      %broadcast_in_dim3A_59 = vector.broadcast %broadcast_in_dim3A : f32 to vector<16xf32>
      %broadcast_in_dim3A_60 = arith.constant 0 : i32
      %broadcast_in_dim3A_61 = vector.broadcast %broadcast_in_dim3A_60 : i32 to vector<16xi32>
      %gather3A = tpu.vector_load_idx %run_scoped3A[%add3A_58, %broadcast_in_dim3A_61] : memref<8x4xf32, #tpu.memory_space<vmem>>[vector<16xi32>, vector<16xi32>], vector<16xf32>,
      %gather3A_62 = tpu.vector_load_idx %run_scoped3A[%and3A_26, %broadcast_in_dim3A_61] : memref<8x4xf32, #tpu.memory_space<vmem>>[vector<16xi32>, vector<16xi32>], vector<16xf32>,
      %mul3A_63 = arith.mulf %gather3A, %gather3A_62 : vector<16xf32>
      %add3A_64 = arith.addf %broadcast_in_dim3A_59, %mul3A_63 : vector<16xf32>
      %broadcast_in_dim3A_65 = arith.constant 1 : i32
      %broadcast_in_dim3A_66 = vector.broadcast %broadcast_in_dim3A_65 : i32 to vector<16xi32>
      %gather3A_67 = tpu.vector_load_idx %run_scoped3A[%add3A_58, %broadcast_in_dim3A_66] : memref<8x4xf32, #tpu.memory_space<vmem>>[vector<16xi32>, vector<16xi32>], vector<16xf32>,
      %gather3A_68 = tpu.vector_load_idx %run_scoped3A[%and3A_26, %broadcast_in_dim3A_66] : memref<8x4xf32, #tpu.memory_space<vmem>>[vector<16xi32>, vector<16xi32>], vector<16xf32>,
      %mul3A_69 = arith.mulf %gather3A_67, %gather3A_68 : vector<16xf32>
      %add3A_70 = arith.addf %add3A_64, %mul3A_69 : vector<16xf32>
      %broadcast_in_dim3A_71 = arith.constant 2 : i32
      %broadcast_in_dim3A_72 = vector.broadcast %broadcast_in_dim3A_71 : i32 to vector<16xi32>
      %gather3A_73 = tpu.vector_load_idx %run_scoped3A[%add3A_58, %broadcast_in_dim3A_72] : memref<8x4xf32, #tpu.memory_space<vmem>>[vector<16xi32>, vector<16xi32>], vector<16xf32>,
      %gather3A_74 = tpu.vector_load_idx %run_scoped3A[%and3A_26, %broadcast_in_dim3A_72] : memref<8x4xf32, #tpu.memory_space<vmem>>[vector<16xi32>, vector<16xi32>], vector<16xf32>,
      %mul3A_75 = arith.mulf %gather3A_73, %gather3A_74 : vector<16xf32>
      %add3A_76 = arith.addf %add3A_70, %mul3A_75 : vector<16xf32>
      %broadcast_in_dim3A_77 = arith.constant 3 : i32
      %broadcast_in_dim3A_78 = vector.broadcast %broadcast_in_dim3A_77 : i32 to vector<16xi32>
      %gather3A_79 = tpu.vector_load_idx %run_scoped3A[%add3A_58, %broadcast_in_dim3A_78] : memref<8x4xf32, #tpu.memory_space<vmem>>[vector<16xi32>, vector<16xi32>], vector<16xf32>,
      %gather3A_80 = tpu.vector_load_idx %run_scoped3A[%and3A_26, %broadcast_in_dim3A_78] : memref<8x4xf32, #tpu.memory_space<vmem>>[vector<16xi32>, vector<16xi32>], vector<16xf32>,
      %mul3A_81 = arith.mulf %gather3A_79, %gather3A_80 : vector<16xf32>
      %add3A_82 = arith.addf %add3A_76, %mul3A_81 : vector<16xf32>
      %broadcast_in_dim3A_83 = arith.constant 0 : i32
      %broadcast_in_dim3A_84 = vector.broadcast %broadcast_in_dim3A_83 : i32 to vector<16xi32>
      tpu.vector_store_idx %arg5[%add3A_55, %broadcast_in_dim3A_84], %add3A_82 : memref<64x16xf32, #tpu.memory_space<vmem>>[vector<16xi32>, vector<16xi32>], vector<16xf32>,
      %broadcast_in_dim3A_85 = arith.constant 1 : i32
      %broadcast_in_dim3A_86 = vector.broadcast %broadcast_in_dim3A_85 : i32 to vector<16xi32>
      tpu.vector_store_idx %arg5[%add3A_55, %broadcast_in_dim3A_86], %add3A_82 : memref<64x16xf32, #tpu.memory_space<vmem>>[vector<16xi32>, vector<16xi32>], vector<16xf32>,
      %broadcast_in_dim3A_87 = arith.constant 2 : i32
      %broadcast_in_dim3A_88 = vector.broadcast %broadcast_in_dim3A_87 : i32 to vector<16xi32>
      tpu.vector_store_idx %arg5[%add3A_55, %broadcast_in_dim3A_88], %add3A_82 : memref<64x16xf32, #tpu.memory_space<vmem>>[vector<16xi32>, vector<16xi32>], vector<16xf32>,
      %broadcast_in_dim3A_89 = arith.constant 3 : i32
      %broadcast_in_dim3A_90 = vector.broadcast %broadcast_in_dim3A_89 : i32 to vector<16xi32>
      tpu.vector_store_idx %arg5[%add3A_55, %broadcast_in_dim3A_90], %add3A_82 : memref<64x16xf32, #tpu.memory_space<vmem>>[vector<16xi32>, vector<16xi32>], vector<16xf32>,
      %broadcast_in_dim3A_91 = arith.constant 4 : i32
      %broadcast_in_dim3A_92 = vector.broadcast %broadcast_in_dim3A_91 : i32 to vector<16xi32>
      tpu.vector_store_idx %arg5[%add3A_55, %broadcast_in_dim3A_92], %add3A_82 : memref<64x16xf32, #tpu.memory_space<vmem>>[vector<16xi32>, vector<16xi32>], vector<16xf32>,
      %broadcast_in_dim3A_93 = arith.constant 5 : i32
      %broadcast_in_dim3A_94 = vector.broadcast %broadcast_in_dim3A_93 : i32 to vector<16xi32>
      tpu.vector_store_idx %arg5[%add3A_55, %broadcast_in_dim3A_94], %add3A_82 : memref<64x16xf32, #tpu.memory_space<vmem>>[vector<16xi32>, vector<16xi32>], vector<16xf32>,
      %broadcast_in_dim3A_95 = arith.constant 6 : i32
      %broadcast_in_dim3A_96 = vector.broadcast %broadcast_in_dim3A_95 : i32 to vector<16xi32>
      tpu.vector_store_idx %arg5[%add3A_55, %broadcast_in_dim3A_96], %add3A_82 : memref<64x16xf32, #tpu.memory_space<vmem>>[vector<16xi32>, vector<16xi32>], vector<16xf32>,
      %broadcast_in_dim3A_97 = arith.constant 7 : i32
      %broadcast_in_dim3A_98 = vector.broadcast %broadcast_in_dim3A_97 : i32 to vector<16xi32>
      tpu.vector_store_idx %arg5[%add3A_55, %broadcast_in_dim3A_98], %add3A_82 : memref<64x16xf32, #tpu.memory_space<vmem>>[vector<16xi32>, vector<16xi32>], vector<16xf32>,
      %broadcast_in_dim3A_99 = arith.constant 8 : i32
      %broadcast_in_dim3A_100 = vector.broadcast %broadcast_in_dim3A_99 : i32 to vector<16xi32>
      tpu.vector_store_idx %arg5[%add3A_55, %broadcast_in_dim3A_100], %add3A_82 : memref<64x16xf32, #tpu.memory_space<vmem>>[vector<16xi32>, vector<16xi32>], vector<16xf32>,
      %broadcast_in_dim3A_101 = arith.constant 9 : i32
      %broadcast_in_dim3A_102 = vector.broadcast %broadcast_in_dim3A_101 : i32 to vector<16xi32>
      tpu.vector_store_idx %arg5[%add3A_55, %broadcast_in_dim3A_102], %add3A_82 : memref<64x16xf32, #tpu.memory_space<vmem>>[vector<16xi32>, vector<16xi32>], vector<16xf32>,
      %broadcast_in_dim3A_103 = arith.constant 10 : i32
      %broadcast_in_dim3A_104 = vector.broadcast %broadcast_in_dim3A_103 : i32 to vector<16xi32>
      tpu.vector_store_idx %arg5[%add3A_55, %broadcast_in_dim3A_104], %add3A_82 : memref<64x16xf32, #tpu.memory_space<vmem>>[vector<16xi32>, vector<16xi32>], vector<16xf32>,
      %broadcast_in_dim3A_105 = arith.constant 11 : i32
      %broadcast_in_dim3A_106 = vector.broadcast %broadcast_in_dim3A_105 : i32 to vector<16xi32>
      tpu.vector_store_idx %arg5[%add3A_55, %broadcast_in_dim3A_106], %add3A_82 : memref<64x16xf32, #tpu.memory_space<vmem>>[vector<16xi32>, vector<16xi32>], vector<16xf32>,
      %broadcast_in_dim3A_107 = arith.constant 12 : i32
      %broadcast_in_dim3A_108 = vector.broadcast %broadcast_in_dim3A_107 : i32 to vector<16xi32>
      tpu.vector_store_idx %arg5[%add3A_55, %broadcast_in_dim3A_108], %add3A_82 : memref<64x16xf32, #tpu.memory_space<vmem>>[vector<16xi32>, vector<16xi32>], vector<16xf32>,
      %broadcast_in_dim3A_109 = arith.constant 13 : i32
      %broadcast_in_dim3A_110 = vector.broadcast %broadcast_in_dim3A_109 : i32 to vector<16xi32>
      tpu.vector_store_idx %arg5[%add3A_55, %broadcast_in_dim3A_110], %add3A_82 : memref<64x16xf32, #tpu.memory_space<vmem>>[vector<16xi32>, vector<16xi32>], vector<16xf32>,
      %broadcast_in_dim3A_111 = arith.constant 14 : i32
      %broadcast_in_dim3A_112 = vector.broadcast %broadcast_in_dim3A_111 : i32 to vector<16xi32>
      tpu.vector_store_idx %arg5[%add3A_55, %broadcast_in_dim3A_112], %add3A_82 : memref<64x16xf32, #tpu.memory_space<vmem>>[vector<16xi32>, vector<16xi32>], vector<16xf32>,
      %broadcast_in_dim3A_113 = arith.constant 15 : i32
      %broadcast_in_dim3A_114 = vector.broadcast %broadcast_in_dim3A_113 : i32 to vector<16xi32>
      tpu.vector_store_idx %arg5[%add3A_55, %broadcast_in_dim3A_114], %add3A_82 : memref<64x16xf32, #tpu.memory_space<vmem>>[vector<16xi32>, vector<16xi32>], vector<16xf32>,
      %add3A_115 = arith.constant 16 : i32
      %add3A_116 = vector.broadcast %add3A_115 : i32 to vector<16xi32>
      %add3A_117 = arith.addi %add3A_116, %iota3A : vector<16xi32>
      %add3A_118 = arith.constant 2 : i32
      %add3A_119 = vector.broadcast %add3A_118 : i32 to vector<16xi32>
      %add3A_120 = arith.addi %add3A_119, %select_n3A : vector<16xi32>
      %broadcast_in_dim3A_121 = arith.constant 0.000000e+00 : f32
      %broadcast_in_dim3A_122 = vector.broadcast %broadcast_in_dim3A_121 : f32 to vector<16xf32>
      %broadcast_in_dim3A_123 = arith.constant 0 : i32
      %broadcast_in_dim3A_124 = vector.broadcast %broadcast_in_dim3A_123 : i32 to vector<16xi32>
      %gather3A_125 = tpu.vector_load_idx %run_scoped3A[%add3A_120, %broadcast_in_dim3A_124] : memref<8x4xf32, #tpu.memory_space<vmem>>[vector<16xi32>, vector<16xi32>], vector<16xf32>,
      %gather3A_126 = tpu.vector_load_idx %run_scoped3A[%and3A_26, %broadcast_in_dim3A_124] : memref<8x4xf32, #tpu.memory_space<vmem>>[vector<16xi32>, vector<16xi32>], vector<16xf32>,
      %mul3A_127 = arith.mulf %gather3A_125, %gather3A_126 : vector<16xf32>
      %add3A_128 = arith.addf %broadcast_in_dim3A_122, %mul3A_127 : vector<16xf32>
      %broadcast_in_dim3A_129 = arith.constant 1 : i32
      %broadcast_in_dim3A_130 = vector.broadcast %broadcast_in_dim3A_129 : i32 to vector<16xi32>
      %gather3A_131 = tpu.vector_load_idx %run_scoped3A[%add3A_120, %broadcast_in_dim3A_130] : memref<8x4xf32, #tpu.memory_space<vmem>>[vector<16xi32>, vector<16xi32>], vector<16xf32>,
      %gather3A_132 = tpu.vector_load_idx %run_scoped3A[%and3A_26, %broadcast_in_dim3A_130] : memref<8x4xf32, #tpu.memory_space<vmem>>[vector<16xi32>, vector<16xi32>], vector<16xf32>,
      %mul3A_133 = arith.mulf %gather3A_131, %gather3A_132 : vector<16xf32>
      %add3A_134 = arith.addf %add3A_128, %mul3A_133 : vector<16xf32>
      %broadcast_in_dim3A_135 = arith.constant 2 : i32
      %broadcast_in_dim3A_136 = vector.broadcast %broadcast_in_dim3A_135 : i32 to vector<16xi32>
      %gather3A_137 = tpu.vector_load_idx %run_scoped3A[%add3A_120, %broadcast_in_dim3A_136] : memref<8x4xf32, #tpu.memory_space<vmem>>[vector<16xi32>, vector<16xi32>], vector<16xf32>,
      %gather3A_138 = tpu.vector_load_idx %run_scoped3A[%and3A_26, %broadcast_in_dim3A_136] : memref<8x4xf32, #tpu.memory_space<vmem>>[vector<16xi32>, vector<16xi32>], vector<16xf32>,
      %mul3A_139 = arith.mulf %gather3A_137, %gather3A_138 : vector<16xf32>
      %add3A_140 = arith.addf %add3A_134, %mul3A_139 : vector<16xf32>
      %broadcast_in_dim3A_141 = arith.constant 3 : i32
      %broadcast_in_dim3A_142 = vector.broadcast %broadcast_in_dim3A_141 : i32 to vector<16xi32>
      %gather3A_143 = tpu.vector_load_idx %run_scoped3A[%add3A_120, %broadcast_in_dim3A_142] : memref<8x4xf32, #tpu.memory_space<vmem>>[vector<16xi32>, vector<16xi32>], vector<16xf32>,
      %gather3A_144 = tpu.vector_load_idx %run_scoped3A[%and3A_26, %broadcast_in_dim3A_142] : memref<8x4xf32, #tpu.memory_space<vmem>>[vector<16xi32>, vector<16xi32>], vector<16xf32>,
      %mul3A_145 = arith.mulf %gather3A_143, %gather3A_144 : vector<16xf32>
      %add3A_146 = arith.addf %add3A_140, %mul3A_145 : vector<16xf32>
      %broadcast_in_dim3A_147 = arith.constant 0 : i32
      %broadcast_in_dim3A_148 = vector.broadcast %broadcast_in_dim3A_147 : i32 to vector<16xi32>
      tpu.vector_store_idx %arg5[%add3A_117, %broadcast_in_dim3A_148], %add3A_146 : memref<64x16xf32, #tpu.memory_space<vmem>>[vector<16xi32>, vector<16xi32>], vector<16xf32>,
      %broadcast_in_dim3A_149 = arith.constant 1 : i32
      %broadcast_in_dim3A_150 = vector.broadcast %broadcast_in_dim3A_149 : i32 to vector<16xi32>
      tpu.vector_store_idx %arg5[%add3A_117, %broadcast_in_dim3A_150], %add3A_146 : memref<64x16xf32, #tpu.memory_space<vmem>>[vector<16xi32>, vector<16xi32>], vector<16xf32>,
      %broadcast_in_dim3A_151 = arith.constant 2 : i32
      %broadcast_in_dim3A_152 = vector.broadcast %broadcast_in_dim3A_151 : i32 to vector<16xi32>
      tpu.vector_store_idx %arg5[%add3A_117, %broadcast_in_dim3A_152], %add3A_146 : memref<64x16xf32, #tpu.memory_space<vmem>>[vector<16xi32>, vector<16xi32>], vector<16xf32>,
      %broadcast_in_dim3A_153 = arith.constant 3 : i32
      %broadcast_in_dim3A_154 = vector.broadcast %broadcast_in_dim3A_153 : i32 to vector<16xi32>
      tpu.vector_store_idx %arg5[%add3A_117, %broadcast_in_dim3A_154], %add3A_146 : memref<64x16xf32, #tpu.memory_space<vmem>>[vector<16xi32>, vector<16xi32>], vector<16xf32>,
      %broadcast_in_dim3A_155 = arith.constant 4 : i32
      %broadcast_in_dim3A_156 = vector.broadcast %broadcast_in_dim3A_155 : i32 to vector<16xi32>
      tpu.vector_store_idx %arg5[%add3A_117, %broadcast_in_dim3A_156], %add3A_146 : memref<64x16xf32, #tpu.memory_space<vmem>>[vector<16xi32>, vector<16xi32>], vector<16xf32>,
      %broadcast_in_dim3A_157 = arith.constant 5 : i32
      %broadcast_in_dim3A_158 = vector.broadcast %broadcast_in_dim3A_157 : i32 to vector<16xi32>
      tpu.vector_store_idx %arg5[%add3A_117, %broadcast_in_dim3A_158], %add3A_146 : memref<64x16xf32, #tpu.memory_space<vmem>>[vector<16xi32>, vector<16xi32>], vector<16xf32>,
      %broadcast_in_dim3A_159 = arith.constant 6 : i32
      %broadcast_in_dim3A_160 = vector.broadcast %broadcast_in_dim3A_159 : i32 to vector<16xi32>
      tpu.vector_store_idx %arg5[%add3A_117, %broadcast_in_dim3A_160], %add3A_146 : memref<64x16xf32, #tpu.memory_space<vmem>>[vector<16xi32>, vector<16xi32>], vector<16xf32>,
      %broadcast_in_dim3A_161 = arith.constant 7 : i32
      %broadcast_in_dim3A_162 = vector.broadcast %broadcast_in_dim3A_161 : i32 to vector<16xi32>
      tpu.vector_store_idx %arg5[%add3A_117, %broadcast_in_dim3A_162], %add3A_146 : memref<64x16xf32, #tpu.memory_space<vmem>>[vector<16xi32>, vector<16xi32>], vector<16xf32>,
      %broadcast_in_dim3A_163 = arith.constant 8 : i32
      %broadcast_in_dim3A_164 = vector.broadcast %broadcast_in_dim3A_163 : i32 to vector<16xi32>
      tpu.vector_store_idx %arg5[%add3A_117, %broadcast_in_dim3A_164], %add3A_146 : memref<64x16xf32, #tpu.memory_space<vmem>>[vector<16xi32>, vector<16xi32>], vector<16xf32>,
      %broadcast_in_dim3A_165 = arith.constant 9 : i32
      %broadcast_in_dim3A_166 = vector.broadcast %broadcast_in_dim3A_165 : i32 to vector<16xi32>
      tpu.vector_store_idx %arg5[%add3A_117, %broadcast_in_dim3A_166], %add3A_146 : memref<64x16xf32, #tpu.memory_space<vmem>>[vector<16xi32>, vector<16xi32>], vector<16xf32>,
      %broadcast_in_dim3A_167 = arith.constant 10 : i32
      %broadcast_in_dim3A_168 = vector.broadcast %broadcast_in_dim3A_167 : i32 to vector<16xi32>
      tpu.vector_store_idx %arg5[%add3A_117, %broadcast_in_dim3A_168], %add3A_146 : memref<64x16xf32, #tpu.memory_space<vmem>>[vector<16xi32>, vector<16xi32>], vector<16xf32>,
      %broadcast_in_dim3A_169 = arith.constant 11 : i32
      %broadcast_in_dim3A_170 = vector.broadcast %broadcast_in_dim3A_169 : i32 to vector<16xi32>
      tpu.vector_store_idx %arg5[%add3A_117, %broadcast_in_dim3A_170], %add3A_146 : memref<64x16xf32, #tpu.memory_space<vmem>>[vector<16xi32>, vector<16xi32>], vector<16xf32>,
      %broadcast_in_dim3A_171 = arith.constant 12 : i32
      %broadcast_in_dim3A_172 = vector.broadcast %broadcast_in_dim3A_171 : i32 to vector<16xi32>
      tpu.vector_store_idx %arg5[%add3A_117, %broadcast_in_dim3A_172], %add3A_146 : memref<64x16xf32, #tpu.memory_space<vmem>>[vector<16xi32>, vector<16xi32>], vector<16xf32>,
      %broadcast_in_dim3A_173 = arith.constant 13 : i32
      %broadcast_in_dim3A_174 = vector.broadcast %broadcast_in_dim3A_173 : i32 to vector<16xi32>
      tpu.vector_store_idx %arg5[%add3A_117, %broadcast_in_dim3A_174], %add3A_146 : memref<64x16xf32, #tpu.memory_space<vmem>>[vector<16xi32>, vector<16xi32>], vector<16xf32>,
      %broadcast_in_dim3A_175 = arith.constant 14 : i32
      %broadcast_in_dim3A_176 = vector.broadcast %broadcast_in_dim3A_175 : i32 to vector<16xi32>
      tpu.vector_store_idx %arg5[%add3A_117, %broadcast_in_dim3A_176], %add3A_146 : memref<64x16xf32, #tpu.memory_space<vmem>>[vector<16xi32>, vector<16xi32>], vector<16xf32>,
      %broadcast_in_dim3A_177 = arith.constant 15 : i32
      %broadcast_in_dim3A_178 = vector.broadcast %broadcast_in_dim3A_177 : i32 to vector<16xi32>
      tpu.vector_store_idx %arg5[%add3A_117, %broadcast_in_dim3A_178], %add3A_146 : memref<64x16xf32, #tpu.memory_space<vmem>>[vector<16xi32>, vector<16xi32>], vector<16xf32>,
      %add3A_179 = arith.constant 32 : i32
      %add3A_180 = vector.broadcast %add3A_179 : i32 to vector<16xi32>
      %add3A_181 = arith.addi %add3A_180, %iota3A : vector<16xi32>
      %add3A_182 = arith.constant 4 : i32
      %add3A_183 = vector.broadcast %add3A_182 : i32 to vector<16xi32>
      %add3A_184 = arith.addi %add3A_183, %select_n3A : vector<16xi32>
      %broadcast_in_dim3A_185 = arith.constant 0.000000e+00 : f32
      %broadcast_in_dim3A_186 = vector.broadcast %broadcast_in_dim3A_185 : f32 to vector<16xf32>
      %broadcast_in_dim3A_187 = arith.constant 0 : i32
      %broadcast_in_dim3A_188 = vector.broadcast %broadcast_in_dim3A_187 : i32 to vector<16xi32>
      %gather3A_189 = tpu.vector_load_idx %run_scoped3A[%add3A_184, %broadcast_in_dim3A_188] : memref<8x4xf32, #tpu.memory_space<vmem>>[vector<16xi32>, vector<16xi32>], vector<16xf32>,
      %gather3A_190 = tpu.vector_load_idx %run_scoped3A[%and3A_26, %broadcast_in_dim3A_188] : memref<8x4xf32, #tpu.memory_space<vmem>>[vector<16xi32>, vector<16xi32>], vector<16xf32>,
      %mul3A_191 = arith.mulf %gather3A_189, %gather3A_190 : vector<16xf32>
      %add3A_192 = arith.addf %broadcast_in_dim3A_186, %mul3A_191 : vector<16xf32>
      %broadcast_in_dim3A_193 = arith.constant 1 : i32
      %broadcast_in_dim3A_194 = vector.broadcast %broadcast_in_dim3A_193 : i32 to vector<16xi32>
      %gather3A_195 = tpu.vector_load_idx %run_scoped3A[%add3A_184, %broadcast_in_dim3A_194] : memref<8x4xf32, #tpu.memory_space<vmem>>[vector<16xi32>, vector<16xi32>], vector<16xf32>,
      %gather3A_196 = tpu.vector_load_idx %run_scoped3A[%and3A_26, %broadcast_in_dim3A_194] : memref<8x4xf32, #tpu.memory_space<vmem>>[vector<16xi32>, vector<16xi32>], vector<16xf32>,
      %mul3A_197 = arith.mulf %gather3A_195, %gather3A_196 : vector<16xf32>
      %add3A_198 = arith.addf %add3A_192, %mul3A_197 : vector<16xf32>
      %broadcast_in_dim3A_199 = arith.constant 2 : i32
      %broadcast_in_dim3A_200 = vector.broadcast %broadcast_in_dim3A_199 : i32 to vector<16xi32>
      %gather3A_201 = tpu.vector_load_idx %run_scoped3A[%add3A_184, %broadcast_in_dim3A_200] : memref<8x4xf32, #tpu.memory_space<vmem>>[vector<16xi32>, vector<16xi32>], vector<16xf32>,
      %gather3A_202 = tpu.vector_load_idx %run_scoped3A[%and3A_26, %broadcast_in_dim3A_200] : memref<8x4xf32, #tpu.memory_space<vmem>>[vector<16xi32>, vector<16xi32>], vector<16xf32>,
      %mul3A_203 = arith.mulf %gather3A_201, %gather3A_202 : vector<16xf32>
      %add3A_204 = arith.addf %add3A_198, %mul3A_203 : vector<16xf32>
      %broadcast_in_dim3A_205 = arith.constant 3 : i32
      %broadcast_in_dim3A_206 = vector.broadcast %broadcast_in_dim3A_205 : i32 to vector<16xi32>
      %gather3A_207 = tpu.vector_load_idx %run_scoped3A[%add3A_184, %broadcast_in_dim3A_206] : memref<8x4xf32, #tpu.memory_space<vmem>>[vector<16xi32>, vector<16xi32>], vector<16xf32>,
      %gather3A_208 = tpu.vector_load_idx %run_scoped3A[%and3A_26, %broadcast_in_dim3A_206] : memref<8x4xf32, #tpu.memory_space<vmem>>[vector<16xi32>, vector<16xi32>], vector<16xf32>,
      %mul3A_209 = arith.mulf %gather3A_207, %gather3A_208 : vector<16xf32>
      %add3A_210 = arith.addf %add3A_204, %mul3A_209 : vector<16xf32>
      %broadcast_in_dim3A_211 = arith.constant 0 : i32
      %broadcast_in_dim3A_212 = vector.broadcast %broadcast_in_dim3A_211 : i32 to vector<16xi32>
      tpu.vector_store_idx %arg5[%add3A_181, %broadcast_in_dim3A_212], %add3A_210 : memref<64x16xf32, #tpu.memory_space<vmem>>[vector<16xi32>, vector<16xi32>], vector<16xf32>,
      %broadcast_in_dim3A_213 = arith.constant 1 : i32
      %broadcast_in_dim3A_214 = vector.broadcast %broadcast_in_dim3A_213 : i32 to vector<16xi32>
      tpu.vector_store_idx %arg5[%add3A_181, %broadcast_in_dim3A_214], %add3A_210 : memref<64x16xf32, #tpu.memory_space<vmem>>[vector<16xi32>, vector<16xi32>], vector<16xf32>,
      %broadcast_in_dim3A_215 = arith.constant 2 : i32
      %broadcast_in_dim3A_216 = vector.broadcast %broadcast_in_dim3A_215 : i32 to vector<16xi32>
      tpu.vector_store_idx %arg5[%add3A_181, %broadcast_in_dim3A_216], %add3A_210 : memref<64x16xf32, #tpu.memory_space<vmem>>[vector<16xi32>, vector<16xi32>], vector<16xf32>,
      %broadcast_in_dim3A_217 = arith.constant 3 : i32
      %broadcast_in_dim3A_218 = vector.broadcast %broadcast_in_dim3A_217 : i32 to vector<16xi32>
      tpu.vector_store_idx %arg5[%add3A_181, %broadcast_in_dim3A_218], %add3A_210 : memref<64x16xf32, #tpu.memory_space<vmem>>[vector<16xi32>, vector<16xi32>], vector<16xf32>,
      %broadcast_in_dim3A_219 = arith.constant 4 : i32
      %broadcast_in_dim3A_220 = vector.broadcast %broadcast_in_dim3A_219 : i32 to vector<16xi32>
      tpu.vector_store_idx %arg5[%add3A_181, %broadcast_in_dim3A_220], %add3A_210 : memref<64x16xf32, #tpu.memory_space<vmem>>[vector<16xi32>, vector<16xi32>], vector<16xf32>,
      %broadcast_in_dim3A_221 = arith.constant 5 : i32
      %broadcast_in_dim3A_222 = vector.broadcast %broadcast_in_dim3A_221 : i32 to vector<16xi32>
      tpu.vector_store_idx %arg5[%add3A_181, %broadcast_in_dim3A_222], %add3A_210 : memref<64x16xf32, #tpu.memory_space<vmem>>[vector<16xi32>, vector<16xi32>], vector<16xf32>,
      %broadcast_in_dim3A_223 = arith.constant 6 : i32
      %broadcast_in_dim3A_224 = vector.broadcast %broadcast_in_dim3A_223 : i32 to vector<16xi32>
      tpu.vector_store_idx %arg5[%add3A_181, %broadcast_in_dim3A_224], %add3A_210 : memref<64x16xf32, #tpu.memory_space<vmem>>[vector<16xi32>, vector<16xi32>], vector<16xf32>,
      %broadcast_in_dim3A_225 = arith.constant 7 : i32
      %broadcast_in_dim3A_226 = vector.broadcast %broadcast_in_dim3A_225 : i32 to vector<16xi32>
      tpu.vector_store_idx %arg5[%add3A_181, %broadcast_in_dim3A_226], %add3A_210 : memref<64x16xf32, #tpu.memory_space<vmem>>[vector<16xi32>, vector<16xi32>], vector<16xf32>,
      %broadcast_in_dim3A_227 = arith.constant 8 : i32
      %broadcast_in_dim3A_228 = vector.broadcast %broadcast_in_dim3A_227 : i32 to vector<16xi32>
      tpu.vector_store_idx %arg5[%add3A_181, %broadcast_in_dim3A_228], %add3A_210 : memref<64x16xf32, #tpu.memory_space<vmem>>[vector<16xi32>, vector<16xi32>], vector<16xf32>,
      %broadcast_in_dim3A_229 = arith.constant 9 : i32
      %broadcast_in_dim3A_230 = vector.broadcast %broadcast_in_dim3A_229 : i32 to vector<16xi32>
      tpu.vector_store_idx %arg5[%add3A_181, %broadcast_in_dim3A_230], %add3A_210 : memref<64x16xf32, #tpu.memory_space<vmem>>[vector<16xi32>, vector<16xi32>], vector<16xf32>,
      %broadcast_in_dim3A_231 = arith.constant 10 : i32
      %broadcast_in_dim3A_232 = vector.broadcast %broadcast_in_dim3A_231 : i32 to vector<16xi32>
      tpu.vector_store_idx %arg5[%add3A_181, %broadcast_in_dim3A_232], %add3A_210 : memref<64x16xf32, #tpu.memory_space<vmem>>[vector<16xi32>, vector<16xi32>], vector<16xf32>,
      %broadcast_in_dim3A_233 = arith.constant 11 : i32
      %broadcast_in_dim3A_234 = vector.broadcast %broadcast_in_dim3A_233 : i32 to vector<16xi32>
      tpu.vector_store_idx %arg5[%add3A_181, %broadcast_in_dim3A_234], %add3A_210 : memref<64x16xf32, #tpu.memory_space<vmem>>[vector<16xi32>, vector<16xi32>], vector<16xf32>,
      %broadcast_in_dim3A_235 = arith.constant 12 : i32
      %broadcast_in_dim3A_236 = vector.broadcast %broadcast_in_dim3A_235 : i32 to vector<16xi32>
      tpu.vector_store_idx %arg5[%add3A_181, %broadcast_in_dim3A_236], %add3A_210 : memref<64x16xf32, #tpu.memory_space<vmem>>[vector<16xi32>, vector<16xi32>], vector<16xf32>,
      %broadcast_in_dim3A_237 = arith.constant 13 : i32
      %broadcast_in_dim3A_238 = vector.broadcast %broadcast_in_dim3A_237 : i32 to vector<16xi32>
      tpu.vector_store_idx %arg5[%add3A_181, %broadcast_in_dim3A_238], %add3A_210 : memref<64x16xf32, #tpu.memory_space<vmem>>[vector<16xi32>, vector<16xi32>], vector<16xf32>,
      %broadcast_in_dim3A_239 = arith.constant 14 : i32
      %broadcast_in_dim3A_240 = vector.broadcast %broadcast_in_dim3A_239 : i32 to vector<16xi32>
      tpu.vector_store_idx %arg5[%add3A_181, %broadcast_in_dim3A_240], %add3A_210 : memref<64x16xf32, #tpu.memory_space<vmem>>[vector<16xi32>, vector<16xi32>], vector<16xf32>,
      %broadcast_in_dim3A_241 = arith.constant 15 : i32
      %broadcast_in_dim3A_242 = vector.broadcast %broadcast_in_dim3A_241 : i32 to vector<16xi32>
      tpu.vector_store_idx %arg5[%add3A_181, %broadcast_in_dim3A_242], %add3A_210 : memref<64x16xf32, #tpu.memory_space<vmem>>[vector<16xi32>, vector<16xi32>], vector<16xf32>,
      %add3A_243 = arith.constant 48 : i32
      %add3A_244 = vector.broadcast %add3A_243 : i32 to vector<16xi32>
      %add3A_245 = arith.addi %add3A_244, %iota3A : vector<16xi32>
      %add3A_246 = arith.constant 6 : i32
      %add3A_247 = vector.broadcast %add3A_246 : i32 to vector<16xi32>
      %add3A_248 = arith.addi %add3A_247, %select_n3A : vector<16xi32>
      %broadcast_in_dim3A_249 = arith.constant 0.000000e+00 : f32
      %broadcast_in_dim3A_250 = vector.broadcast %broadcast_in_dim3A_249 : f32 to vector<16xf32>
      %broadcast_in_dim3A_251 = arith.constant 0 : i32
      %broadcast_in_dim3A_252 = vector.broadcast %broadcast_in_dim3A_251 : i32 to vector<16xi32>
      %gather3A_253 = tpu.vector_load_idx %run_scoped3A[%add3A_248, %broadcast_in_dim3A_252] : memref<8x4xf32, #tpu.memory_space<vmem>>[vector<16xi32>, vector<16xi32>], vector<16xf32>,
      %gather3A_254 = tpu.vector_load_idx %run_scoped3A[%and3A_26, %broadcast_in_dim3A_252] : memref<8x4xf32, #tpu.memory_space<vmem>>[vector<16xi32>, vector<16xi32>], vector<16xf32>,
      %mul3A_255 = arith.mulf %gather3A_253, %gather3A_254 : vector<16xf32>
      %add3A_256 = arith.addf %broadcast_in_dim3A_250, %mul3A_255 : vector<16xf32>
      %broadcast_in_dim3A_257 = arith.constant 1 : i32
      %broadcast_in_dim3A_258 = vector.broadcast %broadcast_in_dim3A_257 : i32 to vector<16xi32>
      %gather3A_259 = tpu.vector_load_idx %run_scoped3A[%add3A_248, %broadcast_in_dim3A_258] : memref<8x4xf32, #tpu.memory_space<vmem>>[vector<16xi32>, vector<16xi32>], vector<16xf32>,
      %gather3A_260 = tpu.vector_load_idx %run_scoped3A[%and3A_26, %broadcast_in_dim3A_258] : memref<8x4xf32, #tpu.memory_space<vmem>>[vector<16xi32>, vector<16xi32>], vector<16xf32>,
      %mul3A_261 = arith.mulf %gather3A_259, %gather3A_260 : vector<16xf32>
      %add3A_262 = arith.addf %add3A_256, %mul3A_261 : vector<16xf32>
      %broadcast_in_dim3A_263 = arith.constant 2 : i32
      %broadcast_in_dim3A_264 = vector.broadcast %broadcast_in_dim3A_263 : i32 to vector<16xi32>
      %gather3A_265 = tpu.vector_load_idx %run_scoped3A[%add3A_248, %broadcast_in_dim3A_264] : memref<8x4xf32, #tpu.memory_space<vmem>>[vector<16xi32>, vector<16xi32>], vector<16xf32>,
      %gather3A_266 = tpu.vector_load_idx %run_scoped3A[%and3A_26, %broadcast_in_dim3A_264] : memref<8x4xf32, #tpu.memory_space<vmem>>[vector<16xi32>, vector<16xi32>], vector<16xf32>,
      %mul3A_267 = arith.mulf %gather3A_265, %gather3A_266 : vector<16xf32>
      %add3A_268 = arith.addf %add3A_262, %mul3A_267 : vector<16xf32>
      %broadcast_in_dim3A_269 = arith.constant 3 : i32
      %broadcast_in_dim3A_270 = vector.broadcast %broadcast_in_dim3A_269 : i32 to vector<16xi32>
      %gather3A_271 = tpu.vector_load_idx %run_scoped3A[%add3A_248, %broadcast_in_dim3A_270] : memref<8x4xf32, #tpu.memory_space<vmem>>[vector<16xi32>, vector<16xi32>], vector<16xf32>,
      %gather3A_272 = tpu.vector_load_idx %run_scoped3A[%and3A_26, %broadcast_in_dim3A_270] : memref<8x4xf32, #tpu.memory_space<vmem>>[vector<16xi32>, vector<16xi32>], vector<16xf32>,
      %mul3A_273 = arith.mulf %gather3A_271, %gather3A_272 : vector<16xf32>
      %add3A_274 = arith.addf %add3A_268, %mul3A_273 : vector<16xf32>
      %broadcast_in_dim3A_275 = arith.constant 0 : i32
      %broadcast_in_dim3A_276 = vector.broadcast %broadcast_in_dim3A_275 : i32 to vector<16xi32>
      tpu.vector_store_idx %arg5[%add3A_245, %broadcast_in_dim3A_276], %add3A_274 : memref<64x16xf32, #tpu.memory_space<vmem>>[vector<16xi32>, vector<16xi32>], vector<16xf32>,
      %broadcast_in_dim3A_277 = arith.constant 1 : i32
      %broadcast_in_dim3A_278 = vector.broadcast %broadcast_in_dim3A_277 : i32 to vector<16xi32>
      tpu.vector_store_idx %arg5[%add3A_245, %broadcast_in_dim3A_278], %add3A_274 : memref<64x16xf32, #tpu.memory_space<vmem>>[vector<16xi32>, vector<16xi32>], vector<16xf32>,
      %broadcast_in_dim3A_279 = arith.constant 2 : i32
      %broadcast_in_dim3A_280 = vector.broadcast %broadcast_in_dim3A_279 : i32 to vector<16xi32>
      tpu.vector_store_idx %arg5[%add3A_245, %broadcast_in_dim3A_280], %add3A_274 : memref<64x16xf32, #tpu.memory_space<vmem>>[vector<16xi32>, vector<16xi32>], vector<16xf32>,
      %broadcast_in_dim3A_281 = arith.constant 3 : i32
      %broadcast_in_dim3A_282 = vector.broadcast %broadcast_in_dim3A_281 : i32 to vector<16xi32>
      tpu.vector_store_idx %arg5[%add3A_245, %broadcast_in_dim3A_282], %add3A_274 : memref<64x16xf32, #tpu.memory_space<vmem>>[vector<16xi32>, vector<16xi32>], vector<16xf32>,
      %broadcast_in_dim3A_283 = arith.constant 4 : i32
      %broadcast_in_dim3A_284 = vector.broadcast %broadcast_in_dim3A_283 : i32 to vector<16xi32>
      tpu.vector_store_idx %arg5[%add3A_245, %broadcast_in_dim3A_284], %add3A_274 : memref<64x16xf32, #tpu.memory_space<vmem>>[vector<16xi32>, vector<16xi32>], vector<16xf32>,
      %broadcast_in_dim3A_285 = arith.constant 5 : i32
      %broadcast_in_dim3A_286 = vector.broadcast %broadcast_in_dim3A_285 : i32 to vector<16xi32>
      tpu.vector_store_idx %arg5[%add3A_245, %broadcast_in_dim3A_286], %add3A_274 : memref<64x16xf32, #tpu.memory_space<vmem>>[vector<16xi32>, vector<16xi32>], vector<16xf32>,
      %broadcast_in_dim3A_287 = arith.constant 6 : i32
      %broadcast_in_dim3A_288 = vector.broadcast %broadcast_in_dim3A_287 : i32 to vector<16xi32>
      tpu.vector_store_idx %arg5[%add3A_245, %broadcast_in_dim3A_288], %add3A_274 : memref<64x16xf32, #tpu.memory_space<vmem>>[vector<16xi32>, vector<16xi32>], vector<16xf32>,
      %broadcast_in_dim3A_289 = arith.constant 7 : i32
      %broadcast_in_dim3A_290 = vector.broadcast %broadcast_in_dim3A_289 : i32 to vector<16xi32>
      tpu.vector_store_idx %arg5[%add3A_245, %broadcast_in_dim3A_290], %add3A_274 : memref<64x16xf32, #tpu.memory_space<vmem>>[vector<16xi32>, vector<16xi32>], vector<16xf32>,
      %broadcast_in_dim3A_291 = arith.constant 8 : i32
      %broadcast_in_dim3A_292 = vector.broadcast %broadcast_in_dim3A_291 : i32 to vector<16xi32>
      tpu.vector_store_idx %arg5[%add3A_245, %broadcast_in_dim3A_292], %add3A_274 : memref<64x16xf32, #tpu.memory_space<vmem>>[vector<16xi32>, vector<16xi32>], vector<16xf32>,
      %broadcast_in_dim3A_293 = arith.constant 9 : i32
      %broadcast_in_dim3A_294 = vector.broadcast %broadcast_in_dim3A_293 : i32 to vector<16xi32>
      tpu.vector_store_idx %arg5[%add3A_245, %broadcast_in_dim3A_294], %add3A_274 : memref<64x16xf32, #tpu.memory_space<vmem>>[vector<16xi32>, vector<16xi32>], vector<16xf32>,
      %broadcast_in_dim3A_295 = arith.constant 10 : i32
      %broadcast_in_dim3A_296 = vector.broadcast %broadcast_in_dim3A_295 : i32 to vector<16xi32>
      tpu.vector_store_idx %arg5[%add3A_245, %broadcast_in_dim3A_296], %add3A_274 : memref<64x16xf32, #tpu.memory_space<vmem>>[vector<16xi32>, vector<16xi32>], vector<16xf32>,
      %broadcast_in_dim3A_297 = arith.constant 11 : i32
      %broadcast_in_dim3A_298 = vector.broadcast %broadcast_in_dim3A_297 : i32 to vector<16xi32>
      tpu.vector_store_idx %arg5[%add3A_245, %broadcast_in_dim3A_298], %add3A_274 : memref<64x16xf32, #tpu.memory_space<vmem>>[vector<16xi32>, vector<16xi32>], vector<16xf32>,
      %broadcast_in_dim3A_299 = arith.constant 12 : i32
      %broadcast_in_dim3A_300 = vector.broadcast %broadcast_in_dim3A_299 : i32 to vector<16xi32>
      tpu.vector_store_idx %arg5[%add3A_245, %broadcast_in_dim3A_300], %add3A_274 : memref<64x16xf32, #tpu.memory_space<vmem>>[vector<16xi32>, vector<16xi32>], vector<16xf32>,
      %broadcast_in_dim3A_301 = arith.constant 13 : i32
      %broadcast_in_dim3A_302 = vector.broadcast %broadcast_in_dim3A_301 : i32 to vector<16xi32>
      tpu.vector_store_idx %arg5[%add3A_245, %broadcast_in_dim3A_302], %add3A_274 : memref<64x16xf32, #tpu.memory_space<vmem>>[vector<16xi32>, vector<16xi32>], vector<16xf32>,
      %broadcast_in_dim3A_303 = arith.constant 14 : i32
      %broadcast_in_dim3A_304 = vector.broadcast %broadcast_in_dim3A_303 : i32 to vector<16xi32>
      tpu.vector_store_idx %arg5[%add3A_245, %broadcast_in_dim3A_304], %add3A_274 : memref<64x16xf32, #tpu.memory_space<vmem>>[vector<16xi32>, vector<16xi32>], vector<16xf32>,
      %broadcast_in_dim3A_305 = arith.constant 15 : i32
      %broadcast_in_dim3A_306 = vector.broadcast %broadcast_in_dim3A_305 : i32 to vector<16xi32>
      tpu.vector_store_idx %arg5[%add3A_245, %broadcast_in_dim3A_306], %add3A_274 : memref<64x16xf32, #tpu.memory_space<vmem>>[vector<16xi32>, vector<16xi32>], vector<16xf32>,
      tpu.yield
    }) : () -> ()
    %mul3A_27 = arith.constant 25600 : i32
    %mul3A_28 = arith.muli %add3A, %mul3A_27 : i32
    %add3A_29 = arith.constant 0 : i32
    %add3A_30 = arith.addi %mul3A_28, %add3A_29 : i32
    %dma_start3A = tpu.memref_slice %arg2[%add3A_30] : memref<819200xi32, #tpu.memory_space<hbm>> -> memref<2560xi32, #tpu.memory_space<hbm>>
    %dma_start3A_31 = tpu.memref_slice %arg2[%add3A_30] : memref<819200xi32, #tpu.memory_space<hbm>> -> memref<2560xi32, #tpu.memory_space<hbm>>
    tpu.enqueue_dma source(%dma_start3A_31 : memref<2560xi32, #tpu.memory_space<hbm>>) target(%arg6 : memref<2560xi32, #tpu.memory_space<vmem>>) target_semaphore(%arg10 : memref<!tpu.dma_semaphore, #tpu.memory_space<semaphore_mem>>)
    %add3A_32 = arith.constant 2560 : i32
    %add3A_33 = arith.addi %mul3A_28, %add3A_32 : i32
    %dma_start3A_34 = tpu.memref_slice %arg2[%add3A_33] : memref<819200xi32, #tpu.memory_space<hbm>> -> memref<2560xi32, #tpu.memory_space<hbm>>
    %dma_start3A_35 = tpu.memref_slice %arg2[%add3A_33] : memref<819200xi32, #tpu.memory_space<hbm>> -> memref<2560xi32, #tpu.memory_space<hbm>>
    tpu.enqueue_dma source(%dma_start3A_35 : memref<2560xi32, #tpu.memory_space<hbm>>) target(%arg7 : memref<2560xi32, #tpu.memory_space<vmem>>) target_semaphore(%arg11 : memref<!tpu.dma_semaphore, #tpu.memory_space<semaphore_mem>>)
    %scan3A = arith.constant 0 : i32
    %scan3A_36 = arith.constant 0 : i32
    %scan3A_37 = arith.constant 5 : i32
    %scan3A_38 = arith.addi %scan3A_36, %scan3A_37 : i32
    %scan3A_39 = arith.constant 1 : i32
    %scan3A_40 = scf.for %scan3A_53 = %scan3A_36 to %scan3A_38 step %scan3A_39 iter_args(%scan3A_54 = %scan3A) -> (i32)  : i32 {
      %mul3A_55 = arith.constant 2 : i32
      %mul3A_56 = arith.muli %scan3A_53, %mul3A_55 : i32
      %add3A_57 = arith.constant 0 : i32
      %add3A_58 = arith.addi %mul3A_56, %add3A_57 : i32
      %add3A_59 = arith.constant 0 : i32
      %add3A_60 = arith.addi %mul3A_28, %add3A_59 : i32
      %dma_wait3A_61 = tpu.memref_slice %arg2[%add3A_60] : memref<819200xi32, #tpu.memory_space<hbm>> -> memref<2560xi32, #tpu.memory_space<hbm>>
      %dma_wait3A_62 = tpu.memref_slice %arg2[%add3A_60] : memref<819200xi32, #tpu.memory_space<hbm>> -> memref<2560xi32, #tpu.memory_space<hbm>>
      tpu.wait_dma2 semaphore(%arg10 : memref<!tpu.dma_semaphore, #tpu.memory_space<semaphore_mem>>) src(%dma_wait3A_62 : memref<2560xi32, #tpu.memory_space<hbm>>) dst(%arg6 : memref<2560xi32, #tpu.memory_space<vmem>>)
      %ge3A = arith.constant 1 : i32
      %ge3A_63 = arith.cmpi sge, %scan3A_53, %ge3A : i32
      %convert_element_type3A = arith.extui %ge3A_63 : i1 to i32
      %cond3A = arith.constant 0 : i32
      %cond3A_64 = arith.cmpi ne, %convert_element_type3A, %cond3A : i32
      scf.if %cond3A_64 {
        %add3A_107 = arith.constant 0 : i32
        %add3A_108 = arith.addi %mul3A_28, %add3A_107 : i32
        %mul3A_109 = arith.constant 8 : i32
        %mul3A_110 = arith.muli %add3A_108, %mul3A_109 : i32
        %dma_wait3A_111 = tpu.memref_slice %arg4[%mul3A_110] : memref<6553600xf32, #tpu.memory_space<hbm>> -> memref<20480xf32, #tpu.memory_space<hbm>>
        %dma_wait3A_112 = tpu.memref_slice %arg4[%mul3A_110] : memref<6553600xf32, #tpu.memory_space<hbm>> -> memref<20480xf32, #tpu.memory_space<hbm>>
        tpu.wait_dma2 semaphore(%arg12 : memref<!tpu.dma_semaphore, #tpu.memory_space<semaphore_mem>>) src(%arg8 : memref<20480xf32, #tpu.memory_space<vmem>>) dst(%dma_wait3A_112 : memref<20480xf32, #tpu.memory_space<hbm>>)
      } else {
      }
      %parallel_loop3A = arith.constant 0 : i32
      %parallel_loop3A_65 = arith.constant 160 : i32
      %parallel_loop3A_66 = arith.constant 1 : i32
      scf.for %parallel_loop3A_107 = %parallel_loop3A to %parallel_loop3A_65 step %parallel_loop3A_66  : i32 {
        %parallel_loop3A_108 = arith.constant 3 : i32
        %parallel_loop3A_109 = arith.shrui %parallel_loop3A_107, %parallel_loop3A_108 : i32
        %parallel_loop3A_110 = arith.constant 7 : i32
        %parallel_loop3A_111 = arith.andi %parallel_loop3A_107, %parallel_loop3A_110 : i32
        %parallel_loop3A_112 = arith.constant 16 : i32
        %parallel_loop3A_113 = arith.muli %parallel_loop3A_107, %parallel_loop3A_112 : i32
        %parallel_loop3A_114 = arith.index_cast %parallel_loop3A_113 : i32 to index
        %parallel_loop3A_115 = tpu.vector_load %arg6[%parallel_loop3A_114] {strides = array<i32>} : memref<2560xi32, #tpu.memory_space<vmem>>, vector<16xi32>,
        %parallel_loop3A_116 = arith.constant 8 : i32
        %parallel_loop3A_117 = vector.broadcast %parallel_loop3A_116 : i32 to vector<16xi32>
        %parallel_loop3A_118 = arith.muli %parallel_loop3A_115, %parallel_loop3A_117 : vector<16xi32>
        %parallel_loop3A_119 = arith.constant 0 : i32
        %parallel_loop3A_120 = vector.broadcast %parallel_loop3A_119 : i32 to vector<16xi32>
        %parallel_loop3A_121 = arith.addi %parallel_loop3A_118, %parallel_loop3A_120 : vector<16xi32>
        %parallel_loop3A_122 = tpu.vector_load_idx %arg5[%parallel_loop3A_121, %iota3A] : memref<64x16xf32, #tpu.memory_space<vmem>>[vector<16xi32>, vector<16xi32>], vector<16xf32>,
        %parallel_loop3A_123 = arith.constant 1024 : i32
        %parallel_loop3A_124 = arith.muli %parallel_loop3A_109, %parallel_loop3A_123 : i32
        %parallel_loop3A_125 = arith.constant 0 : i32
        %parallel_loop3A_126 = arith.addi %parallel_loop3A_124, %parallel_loop3A_125 : i32
        %parallel_loop3A_127 = arith.constant 16 : i32
        %parallel_loop3A_128 = arith.muli %parallel_loop3A_111, %parallel_loop3A_127 : i32
        %parallel_loop3A_129 = arith.addi %parallel_loop3A_126, %parallel_loop3A_128 : i32
        %parallel_loop3A_130 = arith.index_cast %parallel_loop3A_129 : i32 to index
        %parallel_loop3A_131 = tpu.vector_load %arg8[%parallel_loop3A_130] {strides = array<i32>} : memref<20480xf32, #tpu.memory_space<vmem>>, vector<16xf32>,
        tpu.vector_store %arg8[%parallel_loop3A_130], %parallel_loop3A_122 {strides = array<i32>} : memref<20480xf32, #tpu.memory_space<vmem>>, vector<16xf32>,
        %parallel_loop3A_132 = arith.constant 1 : i32
        %parallel_loop3A_133 = vector.broadcast %parallel_loop3A_132 : i32 to vector<16xi32>
        %parallel_loop3A_134 = arith.addi %parallel_loop3A_118, %parallel_loop3A_133 : vector<16xi32>
        %parallel_loop3A_135 = tpu.vector_load_idx %arg5[%parallel_loop3A_134, %iota3A] : memref<64x16xf32, #tpu.memory_space<vmem>>[vector<16xi32>, vector<16xi32>], vector<16xf32>,
        %parallel_loop3A_136 = arith.constant 1024 : i32
        %parallel_loop3A_137 = arith.muli %parallel_loop3A_109, %parallel_loop3A_136 : i32
        %parallel_loop3A_138 = arith.constant 128 : i32
        %parallel_loop3A_139 = arith.addi %parallel_loop3A_137, %parallel_loop3A_138 : i32
        %parallel_loop3A_140 = arith.constant 16 : i32
        %parallel_loop3A_141 = arith.muli %parallel_loop3A_111, %parallel_loop3A_140 : i32
        %parallel_loop3A_142 = arith.addi %parallel_loop3A_139, %parallel_loop3A_141 : i32
        %parallel_loop3A_143 = arith.index_cast %parallel_loop3A_142 : i32 to index
        %parallel_loop3A_144 = tpu.vector_load %arg8[%parallel_loop3A_143] {strides = array<i32>} : memref<20480xf32, #tpu.memory_space<vmem>>, vector<16xf32>,
        tpu.vector_store %arg8[%parallel_loop3A_143], %parallel_loop3A_135 {strides = array<i32>} : memref<20480xf32, #tpu.memory_space<vmem>>, vector<16xf32>,
        %parallel_loop3A_145 = arith.constant 2 : i32
        %parallel_loop3A_146 = vector.broadcast %parallel_loop3A_145 : i32 to vector<16xi32>
        %parallel_loop3A_147 = arith.addi %parallel_loop3A_118, %parallel_loop3A_146 : vector<16xi32>
        %parallel_loop3A_148 = tpu.vector_load_idx %arg5[%parallel_loop3A_147, %iota3A] : memref<64x16xf32, #tpu.memory_space<vmem>>[vector<16xi32>, vector<16xi32>], vector<16xf32>,
        %parallel_loop3A_149 = arith.constant 1024 : i32
        %parallel_loop3A_150 = arith.muli %parallel_loop3A_109, %parallel_loop3A_149 : i32
        %parallel_loop3A_151 = arith.constant 256 : i32
        %parallel_loop3A_152 = arith.addi %parallel_loop3A_150, %parallel_loop3A_151 : i32
        %parallel_loop3A_153 = arith.constant 16 : i32
        %parallel_loop3A_154 = arith.muli %parallel_loop3A_111, %parallel_loop3A_153 : i32
        %parallel_loop3A_155 = arith.addi %parallel_loop3A_152, %parallel_loop3A_154 : i32
        %parallel_loop3A_156 = arith.index_cast %parallel_loop3A_155 : i32 to index
        %parallel_loop3A_157 = tpu.vector_load %arg8[%parallel_loop3A_156] {strides = array<i32>} : memref<20480xf32, #tpu.memory_space<vmem>>, vector<16xf32>,
        tpu.vector_store %arg8[%parallel_loop3A_156], %parallel_loop3A_148 {strides = array<i32>} : memref<20480xf32, #tpu.memory_space<vmem>>, vector<16xf32>,
        %parallel_loop3A_158 = arith.constant 3 : i32
        %parallel_loop3A_159 = vector.broadcast %parallel_loop3A_158 : i32 to vector<16xi32>
        %parallel_loop3A_160 = arith.addi %parallel_loop3A_118, %parallel_loop3A_159 : vector<16xi32>
        %parallel_loop3A_161 = tpu.vector_load_idx %arg5[%parallel_loop3A_160, %iota3A] : memref<64x16xf32, #tpu.memory_space<vmem>>[vector<16xi32>, vector<16xi32>], vector<16xf32>,
        %parallel_loop3A_162 = arith.constant 1024 : i32
        %parallel_loop3A_163 = arith.muli %parallel_loop3A_109, %parallel_loop3A_162 : i32
        %parallel_loop3A_164 = arith.constant 384 : i32
        %parallel_loop3A_165 = arith.addi %parallel_loop3A_163, %parallel_loop3A_164 : i32
        %parallel_loop3A_166 = arith.constant 16 : i32
        %parallel_loop3A_167 = arith.muli %parallel_loop3A_111, %parallel_loop3A_166 : i32
        %parallel_loop3A_168 = arith.addi %parallel_loop3A_165, %parallel_loop3A_167 : i32
        %parallel_loop3A_169 = arith.index_cast %parallel_loop3A_168 : i32 to index
        %parallel_loop3A_170 = tpu.vector_load %arg8[%parallel_loop3A_169] {strides = array<i32>} : memref<20480xf32, #tpu.memory_space<vmem>>, vector<16xf32>,
        tpu.vector_store %arg8[%parallel_loop3A_169], %parallel_loop3A_161 {strides = array<i32>} : memref<20480xf32, #tpu.memory_space<vmem>>, vector<16xf32>,
        %parallel_loop3A_171 = arith.constant 4 : i32
        %parallel_loop3A_172 = vector.broadcast %parallel_loop3A_171 : i32 to vector<16xi32>
        %parallel_loop3A_173 = arith.addi %parallel_loop3A_118, %parallel_loop3A_172 : vector<16xi32>
        %parallel_loop3A_174 = tpu.vector_load_idx %arg5[%parallel_loop3A_173, %iota3A] : memref<64x16xf32, #tpu.memory_space<vmem>>[vector<16xi32>, vector<16xi32>], vector<16xf32>,
        %parallel_loop3A_175 = arith.constant 1024 : i32
        %parallel_loop3A_176 = arith.muli %parallel_loop3A_109, %parallel_loop3A_175 : i32
        %parallel_loop3A_177 = arith.constant 512 : i32
        %parallel_loop3A_178 = arith.addi %parallel_loop3A_176, %parallel_loop3A_177 : i32
        %parallel_loop3A_179 = arith.constant 16 : i32
        %parallel_loop3A_180 = arith.muli %parallel_loop3A_111, %parallel_loop3A_179 : i32
        %parallel_loop3A_181 = arith.addi %parallel_loop3A_178, %parallel_loop3A_180 : i32
        %parallel_loop3A_182 = arith.index_cast %parallel_loop3A_181 : i32 to index
        %parallel_loop3A_183 = tpu.vector_load %arg8[%parallel_loop3A_182] {strides = array<i32>} : memref<20480xf32, #tpu.memory_space<vmem>>, vector<16xf32>,
        tpu.vector_store %arg8[%parallel_loop3A_182], %parallel_loop3A_174 {strides = array<i32>} : memref<20480xf32, #tpu.memory_space<vmem>>, vector<16xf32>,
        %parallel_loop3A_184 = arith.constant 5 : i32
        %parallel_loop3A_185 = vector.broadcast %parallel_loop3A_184 : i32 to vector<16xi32>
        %parallel_loop3A_186 = arith.addi %parallel_loop3A_118, %parallel_loop3A_185 : vector<16xi32>
        %parallel_loop3A_187 = tpu.vector_load_idx %arg5[%parallel_loop3A_186, %iota3A] : memref<64x16xf32, #tpu.memory_space<vmem>>[vector<16xi32>, vector<16xi32>], vector<16xf32>,
        %parallel_loop3A_188 = arith.constant 1024 : i32
        %parallel_loop3A_189 = arith.muli %parallel_loop3A_109, %parallel_loop3A_188 : i32
        %parallel_loop3A_190 = arith.constant 640 : i32
        %parallel_loop3A_191 = arith.addi %parallel_loop3A_189, %parallel_loop3A_190 : i32
        %parallel_loop3A_192 = arith.constant 16 : i32
        %parallel_loop3A_193 = arith.muli %parallel_loop3A_111, %parallel_loop3A_192 : i32
        %parallel_loop3A_194 = arith.addi %parallel_loop3A_191, %parallel_loop3A_193 : i32
        %parallel_loop3A_195 = arith.index_cast %parallel_loop3A_194 : i32 to index
        %parallel_loop3A_196 = tpu.vector_load %arg8[%parallel_loop3A_195] {strides = array<i32>} : memref<20480xf32, #tpu.memory_space<vmem>>, vector<16xf32>,
        tpu.vector_store %arg8[%parallel_loop3A_195], %parallel_loop3A_187 {strides = array<i32>} : memref<20480xf32, #tpu.memory_space<vmem>>, vector<16xf32>,
        %parallel_loop3A_197 = arith.constant 6 : i32
        %parallel_loop3A_198 = vector.broadcast %parallel_loop3A_197 : i32 to vector<16xi32>
        %parallel_loop3A_199 = arith.addi %parallel_loop3A_118, %parallel_loop3A_198 : vector<16xi32>
        %parallel_loop3A_200 = tpu.vector_load_idx %arg5[%parallel_loop3A_199, %iota3A] : memref<64x16xf32, #tpu.memory_space<vmem>>[vector<16xi32>, vector<16xi32>], vector<16xf32>,
        %parallel_loop3A_201 = arith.constant 1024 : i32
        %parallel_loop3A_202 = arith.muli %parallel_loop3A_109, %parallel_loop3A_201 : i32
        %parallel_loop3A_203 = arith.constant 768 : i32
        %parallel_loop3A_204 = arith.addi %parallel_loop3A_202, %parallel_loop3A_203 : i32
        %parallel_loop3A_205 = arith.constant 16 : i32
        %parallel_loop3A_206 = arith.muli %parallel_loop3A_111, %parallel_loop3A_205 : i32
        %parallel_loop3A_207 = arith.addi %parallel_loop3A_204, %parallel_loop3A_206 : i32
        %parallel_loop3A_208 = arith.index_cast %parallel_loop3A_207 : i32 to index
        %parallel_loop3A_209 = tpu.vector_load %arg8[%parallel_loop3A_208] {strides = array<i32>} : memref<20480xf32, #tpu.memory_space<vmem>>, vector<16xf32>,
        tpu.vector_store %arg8[%parallel_loop3A_208], %parallel_loop3A_200 {strides = array<i32>} : memref<20480xf32, #tpu.memory_space<vmem>>, vector<16xf32>,
        %parallel_loop3A_210 = arith.constant 7 : i32
        %parallel_loop3A_211 = vector.broadcast %parallel_loop3A_210 : i32 to vector<16xi32>
        %parallel_loop3A_212 = arith.addi %parallel_loop3A_118, %parallel_loop3A_211 : vector<16xi32>
        %parallel_loop3A_213 = tpu.vector_load_idx %arg5[%parallel_loop3A_212, %iota3A] : memref<64x16xf32, #tpu.memory_space<vmem>>[vector<16xi32>, vector<16xi32>], vector<16xf32>,
        %parallel_loop3A_214 = arith.constant 1024 : i32
        %parallel_loop3A_215 = arith.muli %parallel_loop3A_109, %parallel_loop3A_214 : i32
        %parallel_loop3A_216 = arith.constant 896 : i32
        %parallel_loop3A_217 = arith.addi %parallel_loop3A_215, %parallel_loop3A_216 : i32
        %parallel_loop3A_218 = arith.constant 16 : i32
        %parallel_loop3A_219 = arith.muli %parallel_loop3A_111, %parallel_loop3A_218 : i32
        %parallel_loop3A_220 = arith.addi %parallel_loop3A_217, %parallel_loop3A_219 : i32
        %parallel_loop3A_221 = arith.index_cast %parallel_loop3A_220 : i32 to index
        %parallel_loop3A_222 = tpu.vector_load %arg8[%parallel_loop3A_221] {strides = array<i32>} : memref<20480xf32, #tpu.memory_space<vmem>>, vector<16xf32>,
        tpu.vector_store %arg8[%parallel_loop3A_221], %parallel_loop3A_213 {strides = array<i32>} : memref<20480xf32, #tpu.memory_space<vmem>>, vector<16xf32>,
      } {sc.loop_unroll_factor = 8 : i64, sc.parallel_access}
      %mul3A_67 = arith.constant 2560 : i32
      %mul3A_68 = arith.muli %add3A_58, %mul3A_67 : i32
      %add3A_69 = arith.addi %mul3A_28, %mul3A_68 : i32
      %mul3A_70 = arith.constant 8 : i32
      %mul3A_71 = arith.muli %add3A_69, %mul3A_70 : i32
      %dma_start3A_72 = tpu.memref_slice %arg4[%mul3A_71] : memref<6553600xf32, #tpu.memory_space<hbm>> -> memref<20480xf32, #tpu.memory_space<hbm>>
      %dma_start3A_73 = tpu.memref_slice %arg4[%mul3A_71] : memref<6553600xf32, #tpu.memory_space<hbm>> -> memref<20480xf32, #tpu.memory_space<hbm>>
      tpu.enqueue_dma source(%arg8 : memref<20480xf32, #tpu.memory_space<vmem>>) target(%dma_start3A_73 : memref<20480xf32, #tpu.memory_space<hbm>>) target_semaphore(%arg12 : memref<!tpu.dma_semaphore, #tpu.memory_space<semaphore_mem>>)
      %le3A = arith.constant 3 : i32
      %le3A_74 = arith.cmpi sle, %scan3A_53, %le3A : i32
      %convert_element_type3A_75 = arith.extui %le3A_74 : i1 to i32
      %cond3A_76 = arith.constant 0 : i32
      %cond3A_77 = arith.cmpi ne, %convert_element_type3A_75, %cond3A_76 : i32
      scf.if %cond3A_77 {
        %add3A_107 = arith.constant 2 : i32
        %add3A_108 = arith.addi %add3A_58, %add3A_107 : i32
        %mul3A_109 = arith.constant 2560 : i32
        %mul3A_110 = arith.muli %add3A_108, %mul3A_109 : i32
        %add3A_111 = arith.addi %mul3A_28, %mul3A_110 : i32
        %dma_start3A_112 = tpu.memref_slice %arg2[%add3A_111] : memref<819200xi32, #tpu.memory_space<hbm>> -> memref<2560xi32, #tpu.memory_space<hbm>>
        %dma_start3A_113 = tpu.memref_slice %arg2[%add3A_111] : memref<819200xi32, #tpu.memory_space<hbm>> -> memref<2560xi32, #tpu.memory_space<hbm>>
        tpu.enqueue_dma source(%dma_start3A_113 : memref<2560xi32, #tpu.memory_space<hbm>>) target(%arg6 : memref<2560xi32, #tpu.memory_space<vmem>>) target_semaphore(%arg10 : memref<!tpu.dma_semaphore, #tpu.memory_space<semaphore_mem>>)
      } else {
      }
      %mul3A_78 = arith.constant 2 : i32
      %mul3A_79 = arith.muli %scan3A_53, %mul3A_78 : i32
      %add3A_80 = arith.constant 1 : i32
      %add3A_81 = arith.addi %mul3A_79, %add3A_80 : i32
      %add3A_82 = arith.constant 0 : i32
      %add3A_83 = arith.addi %mul3A_28, %add3A_82 : i32
      %dma_wait3A_84 = tpu.memref_slice %arg2[%add3A_83] : memref<819200xi32, #tpu.memory_space<hbm>> -> memref<2560xi32, #tpu.memory_space<hbm>>
      %dma_wait3A_85 = tpu.memref_slice %arg2[%add3A_83] : memref<819200xi32, #tpu.memory_space<hbm>> -> memref<2560xi32, #tpu.memory_space<hbm>>
      tpu.wait_dma2 semaphore(%arg11 : memref<!tpu.dma_semaphore, #tpu.memory_space<semaphore_mem>>) src(%dma_wait3A_85 : memref<2560xi32, #tpu.memory_space<hbm>>) dst(%arg7 : memref<2560xi32, #tpu.memory_space<vmem>>)
      %ge3A_86 = arith.constant 1 : i32
      %ge3A_87 = arith.cmpi sge, %scan3A_53, %ge3A_86 : i32
      %convert_element_type3A_88 = arith.extui %ge3A_87 : i1 to i32
      %cond3A_89 = arith.constant 0 : i32
      %cond3A_90 = arith.cmpi ne, %convert_element_type3A_88, %cond3A_89 : i32
      scf.if %cond3A_90 {
        %add3A_107 = arith.constant 0 : i32
        %add3A_108 = arith.addi %mul3A_28, %add3A_107 : i32
        %mul3A_109 = arith.constant 8 : i32
        %mul3A_110 = arith.muli %add3A_108, %mul3A_109 : i32
        %dma_wait3A_111 = tpu.memref_slice %arg4[%mul3A_110] : memref<6553600xf32, #tpu.memory_space<hbm>> -> memref<20480xf32, #tpu.memory_space<hbm>>
        %dma_wait3A_112 = tpu.memref_slice %arg4[%mul3A_110] : memref<6553600xf32, #tpu.memory_space<hbm>> -> memref<20480xf32, #tpu.memory_space<hbm>>
        tpu.wait_dma2 semaphore(%arg13 : memref<!tpu.dma_semaphore, #tpu.memory_space<semaphore_mem>>) src(%arg9 : memref<20480xf32, #tpu.memory_space<vmem>>) dst(%dma_wait3A_112 : memref<20480xf32, #tpu.memory_space<hbm>>)
      } else {
      }
      %parallel_loop3A_91 = arith.constant 0 : i32
      %parallel_loop3A_92 = arith.constant 160 : i32
      %parallel_loop3A_93 = arith.constant 1 : i32
      scf.for %parallel_loop3A_107 = %parallel_loop3A_91 to %parallel_loop3A_92 step %parallel_loop3A_93  : i32 {
        %parallel_loop3A_108 = arith.constant 3 : i32
        %parallel_loop3A_109 = arith.shrui %parallel_loop3A_107, %parallel_loop3A_108 : i32
        %parallel_loop3A_110 = arith.constant 7 : i32
        %parallel_loop3A_111 = arith.andi %parallel_loop3A_107, %parallel_loop3A_110 : i32
        %parallel_loop3A_112 = arith.constant 16 : i32
        %parallel_loop3A_113 = arith.muli %parallel_loop3A_107, %parallel_loop3A_112 : i32
        %parallel_loop3A_114 = arith.index_cast %parallel_loop3A_113 : i32 to index
        %parallel_loop3A_115 = tpu.vector_load %arg7[%parallel_loop3A_114] {strides = array<i32>} : memref<2560xi32, #tpu.memory_space<vmem>>, vector<16xi32>,
        %parallel_loop3A_116 = arith.constant 8 : i32
        %parallel_loop3A_117 = vector.broadcast %parallel_loop3A_116 : i32 to vector<16xi32>
        %parallel_loop3A_118 = arith.muli %parallel_loop3A_115, %parallel_loop3A_117 : vector<16xi32>
        %parallel_loop3A_119 = arith.constant 0 : i32
        %parallel_loop3A_120 = vector.broadcast %parallel_loop3A_119 : i32 to vector<16xi32>
        %parallel_loop3A_121 = arith.addi %parallel_loop3A_118, %parallel_loop3A_120 : vector<16xi32>
        %parallel_loop3A_122 = tpu.vector_load_idx %arg5[%parallel_loop3A_121, %iota3A] : memref<64x16xf32, #tpu.memory_space<vmem>>[vector<16xi32>, vector<16xi32>], vector<16xf32>,
        %parallel_loop3A_123 = arith.constant 1024 : i32
        %parallel_loop3A_124 = arith.muli %parallel_loop3A_109, %parallel_loop3A_123 : i32
        %parallel_loop3A_125 = arith.constant 0 : i32
        %parallel_loop3A_126 = arith.addi %parallel_loop3A_124, %parallel_loop3A_125 : i32
        %parallel_loop3A_127 = arith.constant 16 : i32
        %parallel_loop3A_128 = arith.muli %parallel_loop3A_111, %parallel_loop3A_127 : i32
        %parallel_loop3A_129 = arith.addi %parallel_loop3A_126, %parallel_loop3A_128 : i32
        %parallel_loop3A_130 = arith.index_cast %parallel_loop3A_129 : i32 to index
        %parallel_loop3A_131 = tpu.vector_load %arg9[%parallel_loop3A_130] {strides = array<i32>} : memref<20480xf32, #tpu.memory_space<vmem>>, vector<16xf32>,
        tpu.vector_store %arg9[%parallel_loop3A_130], %parallel_loop3A_122 {strides = array<i32>} : memref<20480xf32, #tpu.memory_space<vmem>>, vector<16xf32>,
        %parallel_loop3A_132 = arith.constant 1 : i32
        %parallel_loop3A_133 = vector.broadcast %parallel_loop3A_132 : i32 to vector<16xi32>
        %parallel_loop3A_134 = arith.addi %parallel_loop3A_118, %parallel_loop3A_133 : vector<16xi32>
        %parallel_loop3A_135 = tpu.vector_load_idx %arg5[%parallel_loop3A_134, %iota3A] : memref<64x16xf32, #tpu.memory_space<vmem>>[vector<16xi32>, vector<16xi32>], vector<16xf32>,
        %parallel_loop3A_136 = arith.constant 1024 : i32
        %parallel_loop3A_137 = arith.muli %parallel_loop3A_109, %parallel_loop3A_136 : i32
        %parallel_loop3A_138 = arith.constant 128 : i32
        %parallel_loop3A_139 = arith.addi %parallel_loop3A_137, %parallel_loop3A_138 : i32
        %parallel_loop3A_140 = arith.constant 16 : i32
        %parallel_loop3A_141 = arith.muli %parallel_loop3A_111, %parallel_loop3A_140 : i32
        %parallel_loop3A_142 = arith.addi %parallel_loop3A_139, %parallel_loop3A_141 : i32
        %parallel_loop3A_143 = arith.index_cast %parallel_loop3A_142 : i32 to index
        %parallel_loop3A_144 = tpu.vector_load %arg9[%parallel_loop3A_143] {strides = array<i32>} : memref<20480xf32, #tpu.memory_space<vmem>>, vector<16xf32>,
        tpu.vector_store %arg9[%parallel_loop3A_143], %parallel_loop3A_135 {strides = array<i32>} : memref<20480xf32, #tpu.memory_space<vmem>>, vector<16xf32>,
        %parallel_loop3A_145 = arith.constant 2 : i32
        %parallel_loop3A_146 = vector.broadcast %parallel_loop3A_145 : i32 to vector<16xi32>
        %parallel_loop3A_147 = arith.addi %parallel_loop3A_118, %parallel_loop3A_146 : vector<16xi32>
        %parallel_loop3A_148 = tpu.vector_load_idx %arg5[%parallel_loop3A_147, %iota3A] : memref<64x16xf32, #tpu.memory_space<vmem>>[vector<16xi32>, vector<16xi32>], vector<16xf32>,
        %parallel_loop3A_149 = arith.constant 1024 : i32
        %parallel_loop3A_150 = arith.muli %parallel_loop3A_109, %parallel_loop3A_149 : i32
        %parallel_loop3A_151 = arith.constant 256 : i32
        %parallel_loop3A_152 = arith.addi %parallel_loop3A_150, %parallel_loop3A_151 : i32
        %parallel_loop3A_153 = arith.constant 16 : i32
        %parallel_loop3A_154 = arith.muli %parallel_loop3A_111, %parallel_loop3A_153 : i32
        %parallel_loop3A_155 = arith.addi %parallel_loop3A_152, %parallel_loop3A_154 : i32
        %parallel_loop3A_156 = arith.index_cast %parallel_loop3A_155 : i32 to index
        %parallel_loop3A_157 = tpu.vector_load %arg9[%parallel_loop3A_156] {strides = array<i32>} : memref<20480xf32, #tpu.memory_space<vmem>>, vector<16xf32>,
        tpu.vector_store %arg9[%parallel_loop3A_156], %parallel_loop3A_148 {strides = array<i32>} : memref<20480xf32, #tpu.memory_space<vmem>>, vector<16xf32>,
        %parallel_loop3A_158 = arith.constant 3 : i32
        %parallel_loop3A_159 = vector.broadcast %parallel_loop3A_158 : i32 to vector<16xi32>
        %parallel_loop3A_160 = arith.addi %parallel_loop3A_118, %parallel_loop3A_159 : vector<16xi32>
        %parallel_loop3A_161 = tpu.vector_load_idx %arg5[%parallel_loop3A_160, %iota3A] : memref<64x16xf32, #tpu.memory_space<vmem>>[vector<16xi32>, vector<16xi32>], vector<16xf32>,
        %parallel_loop3A_162 = arith.constant 1024 : i32
        %parallel_loop3A_163 = arith.muli %parallel_loop3A_109, %parallel_loop3A_162 : i32
        %parallel_loop3A_164 = arith.constant 384 : i32
        %parallel_loop3A_165 = arith.addi %parallel_loop3A_163, %parallel_loop3A_164 : i32
        %parallel_loop3A_166 = arith.constant 16 : i32
        %parallel_loop3A_167 = arith.muli %parallel_loop3A_111, %parallel_loop3A_166 : i32
        %parallel_loop3A_168 = arith.addi %parallel_loop3A_165, %parallel_loop3A_167 : i32
        %parallel_loop3A_169 = arith.index_cast %parallel_loop3A_168 : i32 to index
        %parallel_loop3A_170 = tpu.vector_load %arg9[%parallel_loop3A_169] {strides = array<i32>} : memref<20480xf32, #tpu.memory_space<vmem>>, vector<16xf32>,
        tpu.vector_store %arg9[%parallel_loop3A_169], %parallel_loop3A_161 {strides = array<i32>} : memref<20480xf32, #tpu.memory_space<vmem>>, vector<16xf32>,
        %parallel_loop3A_171 = arith.constant 4 : i32
        %parallel_loop3A_172 = vector.broadcast %parallel_loop3A_171 : i32 to vector<16xi32>
        %parallel_loop3A_173 = arith.addi %parallel_loop3A_118, %parallel_loop3A_172 : vector<16xi32>
        %parallel_loop3A_174 = tpu.vector_load_idx %arg5[%parallel_loop3A_173, %iota3A] : memref<64x16xf32, #tpu.memory_space<vmem>>[vector<16xi32>, vector<16xi32>], vector<16xf32>,
        %parallel_loop3A_175 = arith.constant 1024 : i32
        %parallel_loop3A_176 = arith.muli %parallel_loop3A_109, %parallel_loop3A_175 : i32
        %parallel_loop3A_177 = arith.constant 512 : i32
        %parallel_loop3A_178 = arith.addi %parallel_loop3A_176, %parallel_loop3A_177 : i32
        %parallel_loop3A_179 = arith.constant 16 : i32
        %parallel_loop3A_180 = arith.muli %parallel_loop3A_111, %parallel_loop3A_179 : i32
        %parallel_loop3A_181 = arith.addi %parallel_loop3A_178, %parallel_loop3A_180 : i32
        %parallel_loop3A_182 = arith.index_cast %parallel_loop3A_181 : i32 to index
        %parallel_loop3A_183 = tpu.vector_load %arg9[%parallel_loop3A_182] {strides = array<i32>} : memref<20480xf32, #tpu.memory_space<vmem>>, vector<16xf32>,
        tpu.vector_store %arg9[%parallel_loop3A_182], %parallel_loop3A_174 {strides = array<i32>} : memref<20480xf32, #tpu.memory_space<vmem>>, vector<16xf32>,
        %parallel_loop3A_184 = arith.constant 5 : i32
        %parallel_loop3A_185 = vector.broadcast %parallel_loop3A_184 : i32 to vector<16xi32>
        %parallel_loop3A_186 = arith.addi %parallel_loop3A_118, %parallel_loop3A_185 : vector<16xi32>
        %parallel_loop3A_187 = tpu.vector_load_idx %arg5[%parallel_loop3A_186, %iota3A] : memref<64x16xf32, #tpu.memory_space<vmem>>[vector<16xi32>, vector<16xi32>], vector<16xf32>,
        %parallel_loop3A_188 = arith.constant 1024 : i32
        %parallel_loop3A_189 = arith.muli %parallel_loop3A_109, %parallel_loop3A_188 : i32
        %parallel_loop3A_190 = arith.constant 640 : i32
        %parallel_loop3A_191 = arith.addi %parallel_loop3A_189, %parallel_loop3A_190 : i32
        %parallel_loop3A_192 = arith.constant 16 : i32
        %parallel_loop3A_193 = arith.muli %parallel_loop3A_111, %parallel_loop3A_192 : i32
        %parallel_loop3A_194 = arith.addi %parallel_loop3A_191, %parallel_loop3A_193 : i32
        %parallel_loop3A_195 = arith.index_cast %parallel_loop3A_194 : i32 to index
        %parallel_loop3A_196 = tpu.vector_load %arg9[%parallel_loop3A_195] {strides = array<i32>} : memref<20480xf32, #tpu.memory_space<vmem>>, vector<16xf32>,
        tpu.vector_store %arg9[%parallel_loop3A_195], %parallel_loop3A_187 {strides = array<i32>} : memref<20480xf32, #tpu.memory_space<vmem>>, vector<16xf32>,
        %parallel_loop3A_197 = arith.constant 6 : i32
        %parallel_loop3A_198 = vector.broadcast %parallel_loop3A_197 : i32 to vector<16xi32>
        %parallel_loop3A_199 = arith.addi %parallel_loop3A_118, %parallel_loop3A_198 : vector<16xi32>
        %parallel_loop3A_200 = tpu.vector_load_idx %arg5[%parallel_loop3A_199, %iota3A] : memref<64x16xf32, #tpu.memory_space<vmem>>[vector<16xi32>, vector<16xi32>], vector<16xf32>,
        %parallel_loop3A_201 = arith.constant 1024 : i32
        %parallel_loop3A_202 = arith.muli %parallel_loop3A_109, %parallel_loop3A_201 : i32
        %parallel_loop3A_203 = arith.constant 768 : i32
        %parallel_loop3A_204 = arith.addi %parallel_loop3A_202, %parallel_loop3A_203 : i32
        %parallel_loop3A_205 = arith.constant 16 : i32
        %parallel_loop3A_206 = arith.muli %parallel_loop3A_111, %parallel_loop3A_205 : i32
        %parallel_loop3A_207 = arith.addi %parallel_loop3A_204, %parallel_loop3A_206 : i32
        %parallel_loop3A_208 = arith.index_cast %parallel_loop3A_207 : i32 to index
        %parallel_loop3A_209 = tpu.vector_load %arg9[%parallel_loop3A_208] {strides = array<i32>} : memref<20480xf32, #tpu.memory_space<vmem>>, vector<16xf32>,
        tpu.vector_store %arg9[%parallel_loop3A_208], %parallel_loop3A_200 {strides = array<i32>} : memref<20480xf32, #tpu.memory_space<vmem>>, vector<16xf32>,
        %parallel_loop3A_210 = arith.constant 7 : i32
        %parallel_loop3A_211 = vector.broadcast %parallel_loop3A_210 : i32 to vector<16xi32>
        %parallel_loop3A_212 = arith.addi %parallel_loop3A_118, %parallel_loop3A_211 : vector<16xi32>
        %parallel_loop3A_213 = tpu.vector_load_idx %arg5[%parallel_loop3A_212, %iota3A] : memref<64x16xf32, #tpu.memory_space<vmem>>[vector<16xi32>, vector<16xi32>], vector<16xf32>,
        %parallel_loop3A_214 = arith.constant 1024 : i32
        %parallel_loop3A_215 = arith.muli %parallel_loop3A_109, %parallel_loop3A_214 : i32
        %parallel_loop3A_216 = arith.constant 896 : i32
        %parallel_loop3A_217 = arith.addi %parallel_loop3A_215, %parallel_loop3A_216 : i32
        %parallel_loop3A_218 = arith.constant 16 : i32
        %parallel_loop3A_219 = arith.muli %parallel_loop3A_111, %parallel_loop3A_218 : i32
        %parallel_loop3A_220 = arith.addi %parallel_loop3A_217, %parallel_loop3A_219 : i32
        %parallel_loop3A_221 = arith.index_cast %parallel_loop3A_220 : i32 to index
        %parallel_loop3A_222 = tpu.vector_load %arg9[%parallel_loop3A_221] {strides = array<i32>} : memref<20480xf32, #tpu.memory_space<vmem>>, vector<16xf32>,
        tpu.vector_store %arg9[%parallel_loop3A_221], %parallel_loop3A_213 {strides = array<i32>} : memref<20480xf32, #tpu.memory_space<vmem>>, vector<16xf32>,
      } {sc.loop_unroll_factor = 8 : i64, sc.parallel_access}
      %mul3A_94 = arith.constant 2560 : i32
      %mul3A_95 = arith.muli %add3A_81, %mul3A_94 : i32
      %add3A_96 = arith.addi %mul3A_28, %mul3A_95 : i32
      %mul3A_97 = arith.constant 8 : i32
      %mul3A_98 = arith.muli %add3A_96, %mul3A_97 : i32
      %dma_start3A_99 = tpu.memref_slice %arg4[%mul3A_98] : memref<6553600xf32, #tpu.memory_space<hbm>> -> memref<20480xf32, #tpu.memory_space<hbm>>
      %dma_start3A_100 = tpu.memref_slice %arg4[%mul3A_98] : memref<6553600xf32, #tpu.memory_space<hbm>> -> memref<20480xf32, #tpu.memory_space<hbm>>
      tpu.enqueue_dma source(%arg9 : memref<20480xf32, #tpu.memory_space<vmem>>) target(%dma_start3A_100 : memref<20480xf32, #tpu.memory_space<hbm>>) target_semaphore(%arg13 : memref<!tpu.dma_semaphore, #tpu.memory_space<semaphore_mem>>)
      %le3A_101 = arith.constant 3 : i32
      %le3A_102 = arith.cmpi sle, %scan3A_53, %le3A_101 : i32
      %convert_element_type3A_103 = arith.extui %le3A_102 : i1 to i32
      %cond3A_104 = arith.constant 0 : i32
      %cond3A_105 = arith.cmpi ne, %convert_element_type3A_103, %cond3A_104 : i32
      scf.if %cond3A_105 {
        %add3A_107 = arith.constant 2 : i32
        %add3A_108 = arith.addi %add3A_81, %add3A_107 : i32
        %mul3A_109 = arith.constant 2560 : i32
        %mul3A_110 = arith.muli %add3A_108, %mul3A_109 : i32
        %add3A_111 = arith.addi %mul3A_28, %mul3A_110 : i32
        %dma_start3A_112 = tpu.memref_slice %arg2[%add3A_111] : memref<819200xi32, #tpu.memory_space<hbm>> -> memref<2560xi32, #tpu.memory_space<hbm>>
        %dma_start3A_113 = tpu.memref_slice %arg2[%add3A_111] : memref<819200xi32, #tpu.memory_space<hbm>> -> memref<2560xi32, #tpu.memory_space<hbm>>
        tpu.enqueue_dma source(%dma_start3A_113 : memref<2560xi32, #tpu.memory_space<hbm>>) target(%arg7 : memref<2560xi32, #tpu.memory_space<vmem>>) target_semaphore(%arg11 : memref<!tpu.dma_semaphore, #tpu.memory_space<semaphore_mem>>)
      } else {
      }
      %scan3A_106 = arith.constant 0 : i32
      scf.yield %scan3A_106 : i32
    }
    %scan3A_41 = arith.constant 5 : i32
    %add3A_42 = arith.constant 0 : i32
    %add3A_43 = arith.addi %mul3A_28, %add3A_42 : i32
    %mul3A_44 = arith.constant 8 : i32
    %mul3A_45 = arith.muli %add3A_43, %mul3A_44 : i32
    %dma_wait3A = tpu.memref_slice %arg4[%mul3A_45] : memref<6553600xf32, #tpu.memory_space<hbm>> -> memref<20480xf32, #tpu.memory_space<hbm>>
    %dma_wait3A_46 = tpu.memref_slice %arg4[%mul3A_45] : memref<6553600xf32, #tpu.memory_space<hbm>> -> memref<20480xf32, #tpu.memory_space<hbm>>
    tpu.wait_dma2 semaphore(%arg12 : memref<!tpu.dma_semaphore, #tpu.memory_space<semaphore_mem>>) src(%arg8 : memref<20480xf32, #tpu.memory_space<vmem>>) dst(%dma_wait3A_46 : memref<20480xf32, #tpu.memory_space<hbm>>)
    %add3A_47 = arith.constant 0 : i32
    %add3A_48 = arith.addi %mul3A_28, %add3A_47 : i32
    %mul3A_49 = arith.constant 8 : i32
    %mul3A_50 = arith.muli %add3A_48, %mul3A_49 : i32
    %dma_wait3A_51 = tpu.memref_slice %arg4[%mul3A_50] : memref<6553600xf32, #tpu.memory_space<hbm>> -> memref<20480xf32, #tpu.memory_space<hbm>>
    %dma_wait3A_52 = tpu.memref_slice %arg4[%mul3A_50] : memref<6553600xf32, #tpu.memory_space<hbm>> -> memref<20480xf32, #tpu.memory_space<hbm>>
    tpu.wait_dma2 semaphore(%arg13 : memref<!tpu.dma_semaphore, #tpu.memory_space<semaphore_mem>>) src(%arg9 : memref<20480xf32, #tpu.memory_space<vmem>>) dst(%dma_wait3A_52 : memref<20480xf32, #tpu.memory_space<hbm>>)
    return
  }
}

</mosaic_0001>

<sc_bundles>
// kernel: kernel.3.cloned.1.call-start
scs
__scs_entry_jumppad:
0x0: {  	(pc) =	sbr.rel $0x88, $3  }
0x1: {  	(tag) =	ssettag $0x0;
	lr =	simm.s32 $0x1  }
0x2: {  	[smem:$0x3F9F] =	sst lr;
	_ =	strace $0xD0000000  }
0x3: {  	_ = 	snop  }
0x4: {  	_ = 	snop  }
0x5: {  	_ = 	snop  }
0x6: {  	_ = 	snop  }
0x7: {  	_ = 	snop  }
__scs_overlays_trampoline_lowered:
0x8: {  	[smem:$0x3FAE] =	sst s0  }
0x9: {  	[smem:$0x3FAF] =	sst s1  }
0xa: {  	[smem:$0x3FB0] =	sst s2  }
0xb: {  	[smem:$0x3FB1] =	sst s3  }
0xc: {  	[smem:$0x3FB2] =	sst s4  }
0xd: {  	[smem:$0x3FB3] =	sst s5  }
0xe: {  	[smem:$0x3FB4] =	sst s6  }
0xf: {  	[smem:$0x3FB5] =	sst s7  }
0x10: {  	[smem:$0x3FB6] =	sst s8  }
0x11: {  	[smem:$0x3FB7] =	sst s9;
	s0 =	simm.s32 @!p0 $0x0  }
0x12: {  	s1 =	sld [smem:$0x3F9D];
	s0 =	simm.s32 @p0 $0x1  }
0x13: {  	[smem:$0x3FB8] =	sst s0;
	s0 =	simm.s32 @!p1 $0x0  }
0x14: {  	s2 =	sld [smem:$0x3F9C];
	s0 =	simm.s32 @p1 $0x1  }
0x15: {  	[smem:$0x3FB9] =	sst s0;
	s0 =	simm.s32 @!p2 $0x0  }
0x16: {  	s3 =	sld [smem:$0x3FDB];
	s0 =	simm.s32 @p2 $0x1  }
0x17: {  	s4 =	simm.s32 $0x1BF5;
	[smem:$0x3FBB] =	sst s0  }
0x18: {  	s0 =	sld [smem:$0x3F9E];
	_ =	swait.ge [sflag:s4], $0x0  }
0x19: {  	s7 =	sld [smem:$0x3F9F]  }
0x1a: {  	s8 =	sadd.s32 $0xFFFFE003, lr  }
0x1b: {  	s9 =	sadd.s32 $0xFFFFFEF7, lr;
	s5 =	simm.s32 $0xFFFFFFFF;
	p2 =	slt.u32 s8, $0xFFFFF086  }
0x1c: {  	p1 =	slt.u32 s9, $0xF7A;
	s5 =	simm.s32 @!p2 $0x0  }
0x1d: {  	s5 =	simm.s32 @p1 $0x1;
	p0 =	seq.s32 s7, s2  }
0x1e: {  	s7 =	smul.u32 @!p0 $0xF7A, s2;
	p2 =	seq.s32 @!p0 s5, $0x0  }
0x1f: {  	s9 =	smul.u32 $0xF7A, s1;
	s8 =	simm.s32 @!p0 $0x1BF5;
	p2 =	por !p2, p0  }
0x20: {  	[sflag:s8] =	ssyncset.s32 @!p0 $0xFFFFF086;
	s6 =	sadd.s32 @!p0 s3, s7;
	s7 =	simm.s32 @!p0 $0x108  }
0x21: {  	s3 =	sadd.s32 s3, s9;
	s6 =	sadd.s32 @!p0 $0x88, s6;
	s7 =	simm.s32 @p2 $0x1082  }
0x22: {  	[simem:s7], [sflag:s8] =	dma.local @!p0 [hbm:s6], $0xF7A  }
0x23: {  	s9 =	sor.u32 $0xD0000000, s2;
	s6 =	simm.s32 $0x108;
	_ =	swait.ge @!p0 [sflag:s8], $0x0  }
0x24: {  	s3 =	sadd.s32 $0x88, s3;
	s6 =	simm.s32 @!p1 $0x1082;
	[sflag:s4] =	ssyncset.s32 $0xFFFFF086  }
0x25: {  	[simem:s6], [sflag:s4] =	dma.local [hbm:s3], $0xF7A  }
0x26: {  	[smem:$0x3F9F] =	sst s1;
	(tag) =	ssettag s2;
	_ =	strace s9  }
0x27: {  	s1 =	sld [smem:$0x3FAF]  }
0x28: {  	s2 =	sld [smem:$0x3FB0]  }
0x29: {  	s4 =	sld [smem:$0x3FB2]  }
0x2a: {  	p0 =	seq.s32 s5, $0x0;
	s5 =	sld [smem:$0x3FB3]  }
0x2b: {  	s6 =	sld [smem:$0x3FB4]  }
0x2c: {  	s7 =	sld [smem:$0x3FB5]  }
0x2d: {  	s3 =	simm.s32 $0x108;
	s8 =	sld [smem:$0x3FB6]  }
0x2e: {  	s3 =	simm.s32 @!p0 $0x1082;
	s9 =	sld [smem:$0x3FB7]  }
0x2f: {  	lr =	sadd.s32 s0, s3;
	s0 =	sld [smem:$0x3FAE]  }
0x30: {  	s3 =	sld [smem:$0x3FB1]  }
0x31: {  	[smem:$0x3FBA] =	sst s10  }
0x32: {  	s10 =	sld [smem:$0x3FB8];
	_ =	sdelay $0x3  }
0x33: {  	p0 =	seq.s32 s10, $0x1;
	s10 =	sld [smem:$0x3FBA];
	_ =	sdelay $0x3  }
0x34: {  	[smem:$0x3FBA] =	sst s10  }
0x35: {  	s10 =	sld [smem:$0x3FB9];
	_ =	sdelay $0x3  }
0x36: {  	p1 =	seq.s32 s10, $0x1;
	s10 =	sld [smem:$0x3FBA];
	_ =	sdelay $0x3  }
0x37: {  	[smem:$0x3FBA] =	sst s10  }
0x38: {  	s10 =	sld [smem:$0x3FBB]  }
0x39: {  	_ = 	snop;
	(pc) =	sbr.ind lr, $3  }
0x3a: {  	_ = 	snop  }
0x3b: {  	_ = 	snop  }
0x3c: {  	p2 =	seq.s32 s10, $0x1;
	s10 =	sld [smem:$0x3FBA]  }
0x3d: {  	_ =	shalt  }
0x3e: {  	_ =	shalt  }
0x3f: {  	_ =	shalt  }
0x40: {  	_ =	shalt  }
0x41: {  	_ =	shalt  }
0x42: {  	_ =	shalt  }
0x43: {  	_ =	shalt  }
0x44: {  	_ =	shalt  }
0x45: {  	_ =	shalt  }
0x46: {  	_ =	shalt  }
0x47: {  	_ =	shalt  }
0x48: {  	_ =	shalt  }
0x49: {  	_ =	shalt  }
0x4a: {  	_ =	shalt  }
0x4b: {  	_ =	shalt  }
0x4c: {  	_ =	shalt  }
0x4d: {  	_ =	shalt  }
0x4e: {  	_ =	shalt  }
0x4f: {  	_ =	shalt  }
0x50: {  	_ =	shalt  }
0x51: {  	_ =	shalt  }
0x52: {  	_ =	shalt  }
0x53: {  	_ =	shalt  }
0x54: {  	_ =	shalt  }
0x55: {  	_ =	shalt  }
0x56: {  	_ =	shalt  }
0x57: {  	_ =	shalt  }
0x58: {  	_ =	shalt  }
0x59: {  	_ =	shalt  }
0x5a: {  	_ =	shalt  }
0x5b: {  	_ =	shalt  }
0x5c: {  	_ =	shalt  }
0x5d: {  	_ =	shalt  }
0x5e: {  	_ =	shalt  }
0x5f: {  	_ =	shalt  }
0x60: {  	_ =	shalt  }
0x61: {  	_ =	shalt  }
0x62: {  	_ =	shalt  }
0x63: {  	_ =	shalt  }
0x64: {  	_ =	shalt  }
0x65: {  	_ =	shalt  }
0x66: {  	_ =	shalt  }
0x67: {  	_ =	shalt  }
0x68: {  	_ =	shalt  }
0x69: {  	_ =	shalt  }
0x6a: {  	_ =	shalt  }
0x6b: {  	_ =	shalt  }
0x6c: {  	_ =	shalt  }
0x6d: {  	_ =	shalt  }
0x6e: {  	_ =	shalt  }
0x6f: {  	_ =	shalt  }
0x70: {  	_ =	shalt  }
0x71: {  	_ =	shalt  }
0x72: {  	_ =	shalt  }
0x73: {  	_ =	shalt  }
0x74: {  	_ =	shalt  }
0x75: {  	_ =	shalt  }
0x76: {  	_ =	shalt  }
0x77: {  	_ =	shalt  }
0x78: {  	_ =	shalt  }
0x79: {  	_ =	shalt  }
0x7a: {  	_ =	shalt  }
0x7b: {  	_ =	shalt  }
0x7c: {  	_ =	shalt  }
0x7d: {  	_ =	shalt  }
0x7e: {  	_ =	shalt  }
0x7f: {  	_ =	shalt  }
0x80: {  	_ =	shalt  }
0x81: {  	_ =	shalt  }
0x82: {  	_ =	shalt  }
0x83: {  	_ =	shalt  }
0x84: {  	_ =	shalt  }
0x85: {  	_ =	shalt  }
0x86: {  	_ =	shalt  }
0x87: {  	_ =	shalt  }
.Lfunc_end0:
.L_simem_size_0:
called_computation_lowered:
.L_overlay_start_0:
0x88: {  	s2 =	sld [smem:$0x3FD9]  }
0x89: {  	s3 =	sld [smem:$0x3FFE];
	_ =	sdelay $0x1  }
0x8a: {  	s1 =	srdreg.scid  }
0x8b: {  	s0 =	sand.u32 $0x1, s1  }
0x8c: {  	s17 =	sshll.u32 s0, $0xA;
	s2 =	sadd.s32 s3, s2  }
0x8d: {  	s2 =	sadd.s32 s2, s17  }
0x8e: {  	[smem:$0x3FC6] =	sst s2  }
0x8f: {  	_ = 	snop  }
0x90: {  	s2 =	sld [smem:$0x3FD0];
	(tm) =	ssettm $0x1  }
0x91: {  	s18 =	sld [smem:$0x3FFB];
	_ =	sdelay $0x3  }
0x92: {  	_ =	strace s18  }
0x93: {  	s3 =	sld [smem:$0x3FFC];
	_ =	sdelay $0x3  }
0x94: {  	_ =	strace s3  }
0x95: {  	s3 =	sld [smem:$0x3FFD];
	_ =	sdelay $0x3  }
0x96: {  	_ =	strace s3  }
0x97: {  	_ =	strace $0x8FFFFFFF  }
0x98: {  	s19 =	sld [smem:$0x3FDB];
	_ =	sdelay $0x1  }
0x99: {  	s4 =	simm.s32 $_scs_section_size  }
0x9a: {  	s5 =	simm.s32 $_size__tile_overlayer_lowered;
	s6 =	simm.s32 $_tile_overlayer_lowered  }
0x9b: {  	s22 =	simm.s32 $0x1BFF;
	s21 =	sshll.u32 s6, $0x1;
	s3 =	sadd.s32 s4, s19  }
0x9c: {  	s7 =	simm.s32 $0x0;
	s20 =	sshll.u32 s5, $0x1;
	s5 =	sadd.s32 s21, s3  }
0x9d: {  	[timem:s7], [sflag:s22] =	dma.local [hbm:s5], s20  }
0x9e: {  	_ =	swait.ge [sflag:s22], s20  }
0x9f: {  	s4 =	ssub.s32 $0x0, s20;
	[sflag:s22] =	ssyncset.done $0x0  }
0xa0: {  	[sflag:s22] =	ssyncadd.s32 s4;
	_ =	sdelay $0x1  }
0xa1: {  	s23 =	simm.s32 $0x1B8B  }
0xa2: {  	_ =	swait.ge [sflag:s23], $0x1  }
0xa3: {  	[sflag:s23] =	ssyncset.done $0x0  }
0xa4: {  	s25 =	simm.s32 $0x1B8E;
	s24 =	sld [smem:$0x3FFE];
	[sflag:s23] =	ssyncadd.s32 $0xFFFFFFFF  }
0xa5: {  	s26 =	simm.s32 $execute0_lowered;
	[smem:$0x3FD2] =	sst s25  }
0xa6: {  	s5 =	sshll.u32 s26, $0x1;
	_ =	strace $0x80000046;
	[dreg:$0x1] =	wrdreg $0xFFFFFFFF  }
0xa7: {  	s28 =	simm.s32 $_size_execute0_lowered;
	s3 =	sadd.s32 s3, s5;
	[dreg:$0x0] =	wrdreg $0x0  }
0xa8: {  	s5 =	sshll.u32 s28, $0x1;
	[dreg:$0x2] =	wrdreg s3  }
0xa9: {  	[dreg:$0x3] =	wrdreg s5  }
0xaa: {  	[dreg:$0x4] =	wrdreg $0xC0  }
0xab: {  	_ =	task [dreg:s7], $0x5FFFF  }
0xac: {  	[dreg:$0x1] =	wrdreg $0xFFFFFFFF  }
0xad: {  	[dreg:$0x0] =	wrdreg $0x60  }
0xae: {  	[dreg:$0x2] =	wrdreg s24  }
0xaf: {  	[dreg:$0x3] =	wrdreg s2  }
0xb0: {  	[dreg:$0x4] =	wrdreg $0x9  }
0xb1: {  	_ =	task.clear_ibuf [dreg:s7], $0x5FFFF;
	_ =	strace $0x90000046  }
0xb2: {  	s29 =	simm.s32 $0x9;
	_ =	strace $0x80000048  }
0xb3: {  	_ =	swait.ge [sflag:s29], $0x1  }
0xb4: {  	[sflag:s29] =	ssyncadd.s32 $0xFFFFFFFF  }
0xb5: {  	_ =	strace $0x90000048  }
0xb6: {  	_ =	sfence  }
0xb7: {  	s30 =	sld [smem:$0x0];
	_ =	sdelay $0x2  }
0xb8: {  	s31 =	sshll.u32 s1, $0xD;
	s1 =	sshrl.u32 s1, $0x2  }
0xb9: {  	s3 =	sand.u32 $0x4000, s31;
	s1 =	sadd.s32 s1, s30  }
0xba: {  	s0 =	sor.u32 s3, s0;
	s1 =	sshll.u32 s1, $0x11  }
0xbb: {  	s0 =	sor.u32 s1, s0  }
0xbc: {  	s0 =	sadd.s32 $0x8F2B, s0  }
0xbd: {  	[sflag:s0] =	ssyncadd.remote.s32 $0x1  }
0xbe: {  	_ =	sfence.sel $0xFFFF  }
0xbf: {  	[dreg:$0x0] =	wrdreg $0xFFFFFFFF;
	(pc) =	sbr.abs _section_cstart, $3  }
0xc0: {  	[dreg:$0x1] =	wrdreg $0xFFFFFFFF  }
0xc1: {  	_ =	task.clear_ibuf [dreg:s7], $0x2FFFF;
	_ =	strace $0x9FFFFFFF  }
0xc2: {  	(tm) =	ssettm $0x7FFFFFFF  }
0xc3: {  	_ =	shalt  }
tec
execute0_lowered:
.L_overlay_start_1:
0x0: {  	(tag) =	ssettag $0x1  }
0x1: {  	v0 =	vlaneseq.u32  }
0x2: {  	v1 =	vshrl.u32 v0, $0x3  }
0x3: {  	v2 =	vand.u32 $0x7, v0;
	v1 =	vmul.u32 $0x80, v1  }
0x4: {  	v2 =	vmul.u32 $0x80, v2  }
0x5: {  	v3 =	vor.u32 $0x1, v1  }
0x6: {  	[tilespmem:$0x1FC40] =	vst v3;
	v3 =	vor.u32 $0x1, v2  }
0x7: {  	[tilespmem:$0x1FC50] =	vst v3;
	v3 =	vor.u32 $0x2, v1  }
0x8: {  	[tilespmem:$0x1FC60] =	vst v3;
	v3 =	vor.u32 $0x2, v2  }
0x9: {  	v6 =	vmul.u32 $0x80, v0;
	[tilespmem:$0x1FC70] =	vst v3;
	v3 =	vor.u32 $0x3, v1  }
0xa: {  	[tilespmem:$0x1FC80] =	vst v3;
	v3 =	vor.u32 $0x3, v2  }
0xb: {  	[tilespmem:$0x1FC90] =	vst v3;
	v3 =	vor.u32 $0x1, v6  }
0xc: {  	[tilespmem:$0x1FCA0] =	vst v3;
	v3 =	vor.u32 $0x2, v6  }
0xd: {  	[tilespmem:$0x1FCB0] =	vst v3;
	v3 =	vor.u32 $0x3, v6  }
0xe: {  	[tilespmem:$0x1FCC0] =	vst v3;
	v3 =	vor.u32 $0x4, v6  }
0xf: {  	[tilespmem:$0x1FCD0] =	vst v3;
	v3 =	vor.u32 $0x5, v6  }
0x10: {  	[tilespmem:$0x1FCE0] =	vst v3;
	v3 =	vor.u32 $0x6, v6  }
0x11: {  	[tilespmem:$0x1FCF0] =	vst v3;
	v3 =	vor.u32 $0x7, v6  }
0x12: {  	[tilespmem:$0x1FD00] =	vst v3;
	v3 =	vor.u32 $0x8, v6  }
0x13: {  	[tilespmem:$0x1FD10] =	vst v3;
	v3 =	vor.u32 $0x9, v6  }
0x14: {  	[tilespmem:$0x1FD20] =	vst v3;
	v3 =	vor.u32 $0xA, v6  }
0x15: {  	[tilespmem:$0x1FD30] =	vst v3;
	v3 =	vor.u32 $0xB, v6  }
0x16: {  	[tilespmem:$0x1FD40] =	vst v3;
	v3 =	vor.u32 $0xC, v6  }
0x17: {  	[tilespmem:$0x1FD50] =	vst v3;
	v3 =	vor.u32 $0xD, v6  }
0x18: {  	[tilespmem:$0x1FD60] =	vst v3;
	v3 =	vor.u32 $0xE, v6  }
0x19: {  	[tilespmem:$0x1FD70] =	vst v3;
	v3 =	vor.u32 $0xF, v6  }
0x1a: {  	[tilespmem:$0x1FD80] =	vst v3;
	v3 =	vor.u32 $0x100, v1  }
0x1b: {  	[tilespmem:$0x1FD90] =	vst v3;
	v3 =	vor.u32 $0x101, v1  }
0x1c: {  	[tilespmem:$0x1FDA0] =	vst v3;
	v3 =	vor.u32 $0x102, v1  }
0x1d: {  	[tilespmem:$0x1FDB0] =	vst v3;
	v3 =	vor.u32 $0x103, v1  }
0x1e: {  	[tilespmem:$0x1FDC0] =	vst v3;
	v3 =	vor.u32 $0x800, v6  }
0x1f: {  	[tilespmem:$0x1FDD0] =	vst v3;
	v3 =	vor.u32 $0x801, v6  }
0x20: {  	[tilespmem:$0x1FDE0] =	vst v3;
	v3 =	vor.u32 $0x802, v6  }
0x21: {  	[tilespmem:$0x1FDF0] =	vst v3;
	v3 =	vor.u32 $0x803, v6  }
0x22: {  	[tilespmem:$0x1FE00] =	vst v3;
	v3 =	vor.u32 $0x804, v6  }
0x23: {  	[tilespmem:$0x1FE10] =	vst v3;
	v3 =	vor.u32 $0x805, v6  }
0x24: {  	s4 =	rddreg [dreg:$0x0];
	[tilespmem:$0x1FE20] =	vst v3;
	v3 =	vor.u32 $0x806, v6  }
0x25: {  	s9 =	rddreg [dreg:$0x1];
	s2 =	simm.s32 $0x0;
	[tilespmem:$0x1FE30] =	vst v3;
	v3 =	vor.u32 $0x807, v6  }
0x26: {  	s1 =	srdreg.scid;
	[smem:$0x7FF] =	sst s2;
	[tilespmem:$0x1FE40] =	vst v3;
	v3 =	vor.u32 $0x808, v6  }
0x27: {  	s5 =	sand.u32 $0x1, s1;
	s1 =	rddreg [dreg:$0x2];
	_ =	strace $0x80000047;
	[tilespmem:$0x1FE50] =	vst v3;
	v3 =	vor.u32 $0x809, v6  }
0x28: {  	[tilespmem:$0x1FE60] =	vst v3;
	v3 =	vor.u32 $0x80A, v6  }
0x29: {  	[tilespmem:$0x1FE70] =	vst v3;
	v3 =	vor.u32 $0x80B, v6  }
0x2a: {  	[tilespmem:$0x1FE80] =	vst v3;
	v3 =	vor.u32 $0x80C, v6  }
0x2b: {  	[tilespmem:$0x1FE90] =	vst v3;
	v3 =	vor.u32 $0x80D, v6  }
0x2c: {  	[tilespmem:$0x1FEA0] =	vst v3;
	v3 =	vor.u32 $0x80E, v6  }
0x2d: {  	[tilespmem:$0x1FEB0] =	vst v3;
	v3 =	vor.u32 $0x80F, v6  }
0x2e: {  	[tilespmem:$0x1FEC0] =	vst v3;
	v3 =	vor.u32 $0x200, v1  }
0x2f: {  	[tilespmem:$0x1FED0] =	vst v3;
	v3 =	vor.u32 $0x201, v1  }
0x30: {  	[tilespmem:$0x1FEE0] =	vst v3;
	v3 =	vor.u32 $0x202, v1  }
0x31: {  	[tilespmem:$0x1FEF0] =	vst v3;
	v3 =	vor.u32 $0x203, v1  }
0x32: {  	[tilespmem:$0x1FF00] =	vst v3;
	v3 =	vor.u32 $0x1000, v6  }
0x33: {  	[tilespmem:$0x1FF10] =	vst v3;
	v3 =	vor.u32 $0x1001, v6  }
0x34: {  	[tilespmem:$0x1FF20] =	vst v3;
	v3 =	vor.u32 $0x1002, v6  }
0x35: {  	[tilespmem:$0x1FF30] =	vst v3;
	v3 =	vor.u32 $0x1003, v6  }
0x36: {  	[tilespmem:$0x1FF40] =	vst v3;
	v3 =	vor.u32 $0x1004, v6  }
0x37: {  	s0 =	stileid.u32;
	[tilespmem:$0x1FF50] =	vst v3;
	v3 =	vor.u32 $0x1005, v6  }
0x38: {  	s13 =	simm.s32 $0x5;
	s14 =	simm.s32 $0x2000;
	s15 =	simm.s32 $0x2A00;
	[tilespmem:$0x1FF60] =	vst v3;
	v3 =	vor.u32 $0x1006, v6  }
0x39: {  	s16 =	simm.s32 $0x1;
	s17 =	simm.s32 $0x3400;
	s18 =	simm.s32 $0x2;
	[tilespmem:$0x1FF70] =	vst v3;
	v3 =	vor.u32 $0x1007, v6  }
0x3a: {  	s19 =	simm.s32 $0x4;
	s20 =	simm.s32 $0x8400;
	s3 =	sshll.u32 s0, $0x1;
	[tilespmem:$0x1FF80] =	vst v3;
	v3 =	vor.u32 $0x1008, v6  }
0x3b: {  	s21 =	simm.s32 $0x3;
	s22 =	simm.s32 $0x0;
	s3 =	sor.u32 s5, s3;
	[tilespmem:$0x1FF90] =	vst v3;
	v3 =	vor.u32 $0x1009, v6  }
0x3c: {  	s5 =	ssub.s32 $0x2, s5;
	s10 =	smul.u32 $0x6400, s3;
	s3 =	sadd.s32 $0x600, s4;
	[tilespmem:$0x1FFA0] =	vst v3;
	v3 =	vor.u32 $0x100A, v6  }
.Ltmp0:
0x3d: {  	s4 =	sadd.s32 $0x400, s4;
	s6 =	sshrl.u32 s5, $0x1;
	[tilespmem:$0x1FFB0] =	vst v3;
	v3 =	vor.u32 $0x100B, v6;
	(pc) =	sbr.rel .LBB2_1-.Ltmp0, $4  }
0x3e: {  	s12 =	ssub.s32 s5, s6;
	s11 =	sadd.s32 $0xA00, s10;
	s30 =	sshrl.u32 s10, $0x3;
	[tilespmem:$0x1FFC0] =	vst v3;
	v3 =	vor.u32 $0x100C, v6  }
0x3f: {  	s7 =	sadd.s32 s9, s10;
	s8 =	sadd.s32 $0x1400, s10;
	s10 =	sadd.s32 $0x1E00, s10;
	[tilespmem:$0x1FFD0] =	vst v3;
	v3 =	vor.u32 $0x100D, v6  }
0x40: {  	s31 =	sshrl.u32 s11, $0x3;
	s5 =	sadd.s32 s3, s30;
	s9 =	sadd.s32 s9, s11;
	[tilespmem:$0x1FFE0] =	vst v3;
	v3 =	vor.u32 $0x100E, v6  }
0x41: {  	s11 =	smax.u32 s12, $0x1;
	s12 =	simm.s32 $0xD400;
	s6 =	sadd.s32 s3, s31;
	[tilespmem:$0x1FFF0] =	vst v3  }
.LBB2_12:
0x42: {  	s22 =	sadd.s32 $0x1, s22  }
0x43: {  	_ =	swait.ge [sflag:s21], $0x5000;
	p0 =	sne.s32 s22, s11  }
.Ltmp1:
0x44: {  	[sflag:s21] =	ssyncset.done $0x0;
	(pc) =	sbr.rel @!p0 .LBB2_13-.Ltmp1, $4  }
0x45: {  	[sflag:s21] =	ssyncadd.s32 $0xFFFFB000  }
0x46: {  	_ =	swait.ge [sflag:s19], $0x5000  }
0x47: {  	[sflag:s19] =	ssyncset.done $0x0  }
0x48: {  	[sflag:s19] =	ssyncadd.s32 $0xFFFFB000  }
.LBB2_1:
0x49: {  	[tilespmem:s12], [sflag:$0x5] =	stream.linear.gather [hbm4b:s4+s2], $0x400, $0x38;
	[tilespmem:$0xD800] =	vst v63  }
0x4a: {  	_ =	swait.ge [sflag:s13], $0x400  }
0x4b: {  	v4 =	vld [tilespmem:$0x1FC40];
	_ =	sdelay $0x1  }
0x4c: {  	v7 =	vld [tilespmem:$0x1FC60];
	_ =	sdelay $0x1  }
0x4d: {  	[sflag:s13] =	ssyncset.done $0x0  }
0x4e: {  	[sflag:s13] =	ssyncadd.s32 $0xFFFFFC00  }
0x4f: {  	v3 =	vld.idx.msk [tilespmem:v1+s12+$0x0], $0xffff  }
0x50: {  	v5 =	vld.idx.msk [tilespmem:v2+s12+$0x0], $0xffff  }
0x51: {  	v8 =	vld.idx.msk [tilespmem:v4+s12+$0x0], $0xffff  }
0x52: {  	v4 =	vld [tilespmem:$0x1FC50]  }
0x53: {  	v11 =	vld.idx.msk [tilespmem:v7+s12+$0x0], $0xffff  }
0x54: {  	v7 =	vld [tilespmem:$0x1FC70]  }
0x55: {  	v9 =	vld [tilespmem:$0x1FC90]  }
0x56: {  	v3 =	vmul.f32 v5, v3;
	v5 =	vld [tilespmem:$0x1FC80];
	_ =	sdelay $0x3  }
0x57: {  	v10 =	vld.idx.msk [tilespmem:v4+s12+$0x0], $0xffff;
	_ =	sdelay $0x1  }
0x58: {  	v12 =	vld.idx.msk [tilespmem:v7+s12+$0x0], $0xffff  }
0x59: {  	v13 =	vld.idx.msk [tilespmem:v9+s12+$0x0], $0xffff  }
0x5a: {  	v5 =	vld.idx.msk [tilespmem:v5+s12+$0x0], $0xffff  }
0x5b: {  	v3 =	vadd.f32 $0.0e+00, v3;
	v8 =	vmul.f32 v10, v8;
	_ =	sdelay $0x1  }
0x5c: {  	v3 =	vadd.f32 v8, v3;
	v8 =	vmul.f32 v12, v11;
	_ =	sdelay $0x1  }
0x5d: {  	v5 =	vmul.f32 v13, v5;
	v3 =	vadd.f32 v8, v3;
	_ =	sdelay $0x1  }
0x5e: {  	v3 =	vadd.f32 v5, v3;
	v5 =	vld [tilespmem:$0x1FCA0];
	_ =	sdelay $0x6  }
0x5f: {  	[tilespmem:v6+s2+$0x0] =	vst.idx.msk $0xffff, v3  }
0x60: {  	[tilespmem:v5+s2+$0x0] =	vst.idx.msk $0xffff, v3;
	v5 =	vld [tilespmem:$0x1FCB0];
	_ =	sdelay $0x7  }
0x61: {  	[tilespmem:v5+s2+$0x0] =	vst.idx.msk $0xffff, v3;
	v5 =	vld [tilespmem:$0x1FCC0];
	_ =	sdelay $0x7  }
0x62: {  	[tilespmem:v5+s2+$0x0] =	vst.idx.msk $0xffff, v3;
	v5 =	vld [tilespmem:$0x1FCD0];
	_ =	sdelay $0x7  }
0x63: {  	[tilespmem:v5+s2+$0x0] =	vst.idx.msk $0xffff, v3;
	v5 =	vld [tilespmem:$0x1FCE0];
	_ =	sdelay $0x7  }
0x64: {  	[tilespmem:v5+s2+$0x0] =	vst.idx.msk $0xffff, v3;
	v5 =	vld [tilespmem:$0x1FCF0];
	_ =	sdelay $0x7  }
0x65: {  	[tilespmem:v5+s2+$0x0] =	vst.idx.msk $0xffff, v3;
	v5 =	vld [tilespmem:$0x1FD00];
	_ =	sdelay $0x7  }
0x66: {  	[tilespmem:v5+s2+$0x0] =	vst.idx.msk $0xffff, v3;
	v5 =	vld [tilespmem:$0x1FD10];
	_ =	sdelay $0x7  }
0x67: {  	[tilespmem:v5+s2+$0x0] =	vst.idx.msk $0xffff, v3;
	v5 =	vld [tilespmem:$0x1FD20];
	_ =	sdelay $0x7  }
0x68: {  	[tilespmem:v5+s2+$0x0] =	vst.idx.msk $0xffff, v3;
	v5 =	vld [tilespmem:$0x1FD30];
	_ =	sdelay $0x7  }
0x69: {  	[tilespmem:v5+s2+$0x0] =	vst.idx.msk $0xffff, v3;
	v5 =	vld [tilespmem:$0x1FD40];
	_ =	sdelay $0x7  }
0x6a: {  	[tilespmem:v5+s2+$0x0] =	vst.idx.msk $0xffff, v3;
	v5 =	vld [tilespmem:$0x1FD50];
	_ =	sdelay $0x7  }
0x6b: {  	[tilespmem:v5+s2+$0x0] =	vst.idx.msk $0xffff, v3;
	v5 =	vld [tilespmem:$0x1FD60];
	_ =	sdelay $0x7  }
0x6c: {  	[tilespmem:v5+s2+$0x0] =	vst.idx.msk $0xffff, v3;
	v5 =	vld [tilespmem:$0x1FD70];
	_ =	sdelay $0x7  }
0x6d: {  	[tilespmem:v5+s2+$0x0] =	vst.idx.msk $0xffff, v3;
	v5 =	vld [tilespmem:$0x1FD80];
	_ =	sdelay $0x7  }
0x6e: {  	[tilespmem:v5+s2+$0x0] =	vst.idx.msk $0xffff, v3;
	v3 =	vld [tilespmem:$0x1FD90];
	_ =	sdelay $0x5  }
0x6f: {  	v8 =	vld [tilespmem:$0x1FDA0]  }
0x70: {  	v5 =	vld.idx.msk [tilespmem:v2+s12+$0x0], $0xffff  }
0x71: {  	v3 =	vld.idx.msk [tilespmem:v3+s12+$0x0], $0xffff;
	_ =	sdelay $0x1  }
0x72: {  	v39 =	vld [tilespmem:$0x1FDB0];
	_ =	sdelay $0x2  }
0x73: {  	v3 =	vmul.f32 v5, v3;
	v5 =	vld [tilespmem:$0x1FDC0];
	_ =	sdelay $0x2  }
0x74: {  	v8 =	vld.idx.msk [tilespmem:v8+s12+$0x0], $0xffff  }
0x75: {  	v38 =	vld.idx.msk [tilespmem:v4+s12+$0x0], $0xffff  }
0x76: {  	v11 =	vld.idx.msk [tilespmem:v39+s12+$0x0], $0xffff  }
0x77: {  	v40 =	vld.idx.msk [tilespmem:v7+s12+$0x0], $0xffff  }
0x78: {  	v41 =	vld.idx.msk [tilespmem:v9+s12+$0x0], $0xffff  }
0x79: {  	v5 =	vld.idx.msk [tilespmem:v5+s12+$0x0], $0xffff  }
0x7a: {  	v8 =	vmul.f32 v38, v8;
	v3 =	vadd.f32 $0.0e+00, v3;
	_ =	sdelay $0x1  }
0x7b: {  	v3 =	vadd.f32 v8, v3;
	v8 =	vmul.f32 v40, v11;
	_ =	sdelay $0x1  }
0x7c: {  	v3 =	vadd.f32 v8, v3;
	v5 =	vmul.f32 v41, v5;
	_ =	sdelay $0x1  }
0x7d: {  	v3 =	vadd.f32 v5, v3;
	v5 =	vld [tilespmem:$0x1FDD0];
	_ =	sdelay $0x7  }
0x7e: {  	[tilespmem:v5+s2+$0x0] =	vst.idx.msk $0xffff, v3;
	v5 =	vld [tilespmem:$0x1FDE0];
	_ =	sdelay $0x7  }
0x7f: {  	[tilespmem:v5+s2+$0x0] =	vst.idx.msk $0xffff, v3;
	v5 =	vld [tilespmem:$0x1FDF0];
	_ =	sdelay $0x7  }
0x80: {  	[tilespmem:v5+s2+$0x0] =	vst.idx.msk $0xffff, v3;
	v5 =	vld [tilespmem:$0x1FE00];
	_ =	sdelay $0x7  }
0x81: {  	[tilespmem:v5+s2+$0x0] =	vst.idx.msk $0xffff, v3;
	v5 =	vld [tilespmem:$0x1FE10];
	_ =	sdelay $0x7  }
0x82: {  	[tilespmem:v5+s2+$0x0] =	vst.idx.msk $0xffff, v3;
	v5 =	vld [tilespmem:$0x1FE20];
	_ =	sdelay $0x7  }
0x83: {  	[tilespmem:v5+s2+$0x0] =	vst.idx.msk $0xffff, v3;
	v5 =	vld [tilespmem:$0x1FE30];
	_ =	sdelay $0x7  }
0x84: {  	[tilespmem:v5+s2+$0x0] =	vst.idx.msk $0xffff, v3;
	v5 =	vld [tilespmem:$0x1FE40];
	_ =	sdelay $0x7  }
0x85: {  	[tilespmem:v5+s2+$0x0] =	vst.idx.msk $0xffff, v3;
	v5 =	vld [tilespmem:$0x1FE50];
	_ =	sdelay $0x7  }
0x86: {  	[tilespmem:v5+s2+$0x0] =	vst.idx.msk $0xffff, v3;
	v5 =	vld [tilespmem:$0x1FE60];
	_ =	sdelay $0x7  }
0x87: {  	[tilespmem:v5+s2+$0x0] =	vst.idx.msk $0xffff, v3;
	v5 =	vld [tilespmem:$0x1FE70];
	_ =	sdelay $0x7  }
0x88: {  	[tilespmem:v5+s2+$0x0] =	vst.idx.msk $0xffff, v3;
	v5 =	vld [tilespmem:$0x1FE80];
	_ =	sdelay $0x7  }
0x89: {  	[tilespmem:v5+s2+$0x0] =	vst.idx.msk $0xffff, v3;
	v5 =	vld [tilespmem:$0x1FE90];
	_ =	sdelay $0x7  }
0x8a: {  	[tilespmem:v5+s2+$0x0] =	vst.idx.msk $0xffff, v3;
	v5 =	vld [tilespmem:$0x1FEA0];
	_ =	sdelay $0x7  }
0x8b: {  	[tilespmem:v5+s2+$0x0] =	vst.idx.msk $0xffff, v3;
	v5 =	vld [tilespmem:$0x1FEB0];
	_ =	sdelay $0x7  }
0x8c: {  	[tilespmem:v5+s2+$0x0] =	vst.idx.msk $0xffff, v3;
	v5 =	vld [tilespmem:$0x1FEC0];
	_ =	sdelay $0x7  }
0x8d: {  	[tilespmem:v5+s2+$0x0] =	vst.idx.msk $0xffff, v3;
	v3 =	vld [tilespmem:$0x1FED0];
	_ =	sdelay $0x5  }
0x8e: {  	v8 =	vld [tilespmem:$0x1FEE0]  }
0x8f: {  	v5 =	vld.idx.msk [tilespmem:v2+s12+$0x0], $0xffff  }
0x90: {  	v3 =	vld.idx.msk [tilespmem:v3+s12+$0x0], $0xffff;
	_ =	sdelay $0x1  }
0x91: {  	v43 =	vld [tilespmem:$0x1FEF0];
	_ =	sdelay $0x2  }
0x92: {  	v3 =	vmul.f32 v5, v3;
	v5 =	vld [tilespmem:$0x1FF00];
	_ =	sdelay $0x2  }
0x93: {  	v8 =	vld.idx.msk [tilespmem:v8+s12+$0x0], $0xffff  }
0x94: {  	v42 =	vld.idx.msk [tilespmem:v4+s12+$0x0], $0xffff  }
0x95: {  	v11 =	vld.idx.msk [tilespmem:v43+s12+$0x0], $0xffff  }
0x96: {  	v44 =	vld.idx.msk [tilespmem:v7+s12+$0x0], $0xffff  }
0x97: {  	v45 =	vld.idx.msk [tilespmem:v9+s12+$0x0], $0xffff  }
0x98: {  	v5 =	vld.idx.msk [tilespmem:v5+s12+$0x0], $0xffff  }
0x99: {  	v8 =	vmul.f32 v42, v8;
	v3 =	vadd.f32 $0.0e+00, v3;
	_ =	sdelay $0x1  }
0x9a: {  	v3 =	vadd.f32 v8, v3;
	v8 =	vmul.f32 v44, v11;
	_ =	sdelay $0x1  }
0x9b: {  	v3 =	vadd.f32 v8, v3;
	v5 =	vmul.f32 v45, v5;
	_ =	sdelay $0x1  }
0x9c: {  	v3 =	vadd.f32 v5, v3;
	v5 =	vld [tilespmem:$0x1FF10];
	_ =	sdelay $0x7  }
0x9d: {  	[tilespmem:v5+s2+$0x0] =	vst.idx.msk $0xffff, v3;
	v5 =	vld [tilespmem:$0x1FF20];
	_ =	sdelay $0x7  }
0x9e: {  	[tilespmem:v5+s2+$0x0] =	vst.idx.msk $0xffff, v3;
	v5 =	vld [tilespmem:$0x1FF30];
	_ =	sdelay $0x7  }
0x9f: {  	[tilespmem:v5+s2+$0x0] =	vst.idx.msk $0xffff, v3;
	v5 =	vld [tilespmem:$0x1FF40];
	_ =	sdelay $0x7  }
0xa0: {  	[tilespmem:v5+s2+$0x0] =	vst.idx.msk $0xffff, v3;
	v5 =	vld [tilespmem:$0x1FF50];
	_ =	sdelay $0x7  }
0xa1: {  	[tilespmem:v5+s2+$0x0] =	vst.idx.msk $0xffff, v3;
	v5 =	vld [tilespmem:$0x1FF60];
	_ =	sdelay $0x7  }
0xa2: {  	[tilespmem:v5+s2+$0x0] =	vst.idx.msk $0xffff, v3;
	v5 =	vld [tilespmem:$0x1FF70];
	_ =	sdelay $0x7  }
0xa3: {  	[tilespmem:v5+s2+$0x0] =	vst.idx.msk $0xffff, v3;
	v5 =	vld [tilespmem:$0x1FF80];
	_ =	sdelay $0x7  }
0xa4: {  	[tilespmem:v5+s2+$0x0] =	vst.idx.msk $0xffff, v3;
	v5 =	vld [tilespmem:$0x1FF90];
	_ =	sdelay $0x7  }
0xa5: {  	[tilespmem:v5+s2+$0x0] =	vst.idx.msk $0xffff, v3;
	v5 =	vld [tilespmem:$0x1FFA0];
	_ =	sdelay $0x7  }
0xa6: {  	[tilespmem:v5+s2+$0x0] =	vst.idx.msk $0xffff, v3;
	v5 =	vld [tilespmem:$0x1FFB0]  }
0xa7: {  	v8 =	vld [tilespmem:$0x1FFC0]  }
0xa8: {  	v46 =	vld [tilespmem:$0x1FFD0]  }
0xa9: {  	v47 =	vld [tilespmem:$0x1FFE0]  }
0xaa: {  	v49 =	vld [tilespmem:$0x1FFF0];
	_ =	sdelay $0x3  }
0xab: {  	[tilespmem:v5+s2+$0x0] =	vst.idx.msk $0xffff, v3;
	v5 =	vor.u32 $0x100F, v6  }
0xac: {  	[tilespmem:v8+s2+$0x0] =	vst.idx.msk $0xffff, v3;
	v8 =	vor.u32 $0x300, v1  }
0xad: {  	[tilespmem:v46+s2+$0x0] =	vst.idx.msk $0xffff, v3  }
0xae: {  	v48 =	vor.u32 $0x301, v1;
	[tilespmem:v47+s2+$0x0] =	vst.idx.msk $0xffff, v3  }
0xaf: {  	[tilespmem:v49+s2+$0x0] =	vst.idx.msk $0xffff, v3  }
0xb0: {  	[tilespmem:v5+s2+$0x0] =	vst.idx.msk $0xffff, v3  }
0xb1: {  	v3 =	vor.u32 $0x302, v1;
	v5 =	vld.idx.msk [tilespmem:v8+s12+$0x0], $0xffff  }
0xb2: {  	v8 =	vld.idx.msk [tilespmem:v2+s12+$0x0], $0xffff  }
0xb3: {  	v50 =	vor.u32 $0x303, v1;
	v10 =	vld.idx.msk [tilespmem:v48+s12+$0x0], $0xffff  }
0xb4: {  	v51 =	vld.idx.msk [tilespmem:v4+s12+$0x0], $0xffff  }
0xb5: {  	v52 =	vld.idx.msk [tilespmem:v7+s12+$0x0], $0xffff  }
0xb6: {  	v3 =	vld.idx.msk [tilespmem:v3+s12+$0x0], $0xffff  }
0xb7: {  	v53 =	vld.idx.msk [tilespmem:v9+s12+$0x0], $0xffff;
	v5 =	vmul.f32 v8, v5  }
0xb8: {  	v8 =	vld.idx.msk [tilespmem:v50+s12+$0x0], $0xffff  }
0xb9: {  	v10 =	vmul.f32 v51, v10;
	v5 =	vadd.f32 $0.0e+00, v5;
	_ =	sdelay $0x1  }
0xba: {  	v5 =	vadd.f32 v10, v5;
	v3 =	vmul.f32 v52, v3  }
0xbb: {  	v54 =	vor.u32 $0x1800, v6  }
0xbc: {  	v3 =	vadd.f32 v3, v5;
	v5 =	vmul.f32 v53, v8;
	v8 =	vor.u32 $0x1801, v6  }
0xbd: {  	v55 =	vor.u32 $0x1802, v6  }
0xbe: {  	v3 =	vadd.f32 v5, v3;
	v5 =	vor.u32 $0x1803, v6  }
0xbf: {  	v56 =	vor.u32 $0x1804, v6  }
0xc0: {  	v57 =	vor.u32 $0x1805, v6;
	[tilespmem:v54+s2+$0x0] =	vst.idx.msk $0xffff, v3  }
0xc1: {  	[tilespmem:v8+s2+$0x0] =	vst.idx.msk $0xffff, v3;
	v8 =	vor.u32 $0x1806, v6  }
0xc2: {  	v58 =	vor.u32 $0x1807, v6;
	[tilespmem:v55+s2+$0x0] =	vst.idx.msk $0xffff, v3  }
0xc3: {  	[tilespmem:v5+s2+$0x0] =	vst.idx.msk $0xffff, v3;
	v5 =	vor.u32 $0x1808, v6  }
0xc4: {  	v59 =	vor.u32 $0x1809, v6;
	[tilespmem:v56+s2+$0x0] =	vst.idx.msk $0xffff, v3  }
0xc5: {  	v60 =	vor.u32 $0x180A, v6;
	[tilespmem:v57+s2+$0x0] =	vst.idx.msk $0xffff, v3  }
0xc6: {  	[tilespmem:v8+s2+$0x0] =	vst.idx.msk $0xffff, v3;
	v8 =	vor.u32 $0x180B, v6  }
0xc7: {  	v61 =	vor.u32 $0x180C, v6;
	[tilespmem:v58+s2+$0x0] =	vst.idx.msk $0xffff, v3  }
0xc8: {  	[tilespmem:v5+s2+$0x0] =	vst.idx.msk $0xffff, v3;
	v5 =	vor.u32 $0x180D, v6  }
0xc9: {  	v62 =	vor.u32 $0x180E, v6;
	[tilespmem:v59+s2+$0x0] =	vst.idx.msk $0xffff, v3  }
0xca: {  	v63 =	vor.u32 $0x180F, v6;
	[tilespmem:v60+s2+$0x0] =	vst.idx.msk $0xffff, v3  }
0xcb: {  	[tilespmem:v8+s2+$0x0] =	vst.idx.msk $0xffff, v3  }
0xcc: {  	[tilespmem:v61+s2+$0x0] =	vst.idx.msk $0xffff, v3  }
0xcd: {  	[tilespmem:v5+s2+$0x0] =	vst.idx.msk $0xffff, v3  }
0xce: {  	[tilespmem:v62+s2+$0x0] =	vst.idx.msk $0xffff, v3  }
0xcf: {  	[tilespmem:v63+s2+$0x0] =	vst.idx.msk $0xffff, v3  }
0xd0: {  	[tilespmem:s14], [sflag:$0x1] =	stream.linear.gather [hbm4b:s5+s2], $0xA00, $0x38;
	[tilespmem:$0xD800] =	vst v63  }
0xd1: {  	s23 =	simm.s32 $0x0  }
0xd2: {  	[tilespmem:s15], [sflag:$0x2] =	stream.linear.gather [hbm4b:s6+s2], $0xA00, $0x38;
	[tilespmem:$0xD800] =	vst v63  }
.LBB2_2:
0xd3: {  	_ =	swait.ge [sflag:s16], $0xA00  }
0xd4: {  	p0 =	seq.s32 s23, $0x0;
	[sflag:s16] =	ssyncset.done $0x0  }
0xd5: {  	s24 =	simm.s32 @!p0 $0x3;
	[sflag:s16] =	ssyncadd.s32 $0xFFFFF600  }
0xd6: {  	_ =	swait.ge @!p0 [sflag:s24], $0x5000  }
0xd7: {  	[sflag:s24] =	ssyncset.done @!p0 $0x0  }
0xd8: {  	s31 =	simm.s32 $0x2040;
	[sflag:s24] =	ssyncadd.s32 @!p0 $0xFFFFB000  }
0xd9: {  	v3 =	vld [tilespmem:s31+$0x30]  }
0xda: {  	v5 =	vld [tilespmem:s31+$0xFFFFFFD0]  }
0xdb: {  	v8 =	vld [tilespmem:s31+$0xFFFFFFE0];
	_ =	sdelay $0x1  }
0xdc: {  	v10 =	vld [tilespmem:s31+$0xFFFFFFF0]  }
0xdd: {  	v11 =	vld [tilespmem:s31+$0x0]  }
0xde: {  	v12 =	vld [tilespmem:s31+$0x10];
	v21 =	vshll.u32 v3, $0xA  }
0xdf: {  	v17 =	vshll.u32 v5, $0xA;
	v18 =	vshll.u32 v8, $0xA;
	v8 =	vld [tilespmem:s31+$0xFFFFFFC0];
	v5 =	vor.u32 v0, v21  }
0xe0: {  	v3 =	vld [tilespmem:s31+$0x20];
	v13 =	vor.u32 v0, v17  }
0xe1: {  	s25 =	simm.s32 $0x20C0;
	v19 =	vshll.u32 v10, $0xA;
	v22 =	vor.u32 v0, v18  }
0xe2: {  	v41 =	vld [tilespmem:s25+$0xFFFFFFF0];
	v14 =	vshll.u32 v11, $0xA;
	v10 =	vor.u32 v0, v19  }
0xe3: {  	v42 =	vld [tilespmem:s25+$0x0];
	v15 =	vshll.u32 v12, $0xA;
	v11 =	vor.u32 v0, v14  }
0xe4: {  	v12 =	vor.u32 v0, v15;
	v20 =	vshll.u32 v8, $0xA;
	v5 =	vld.idx.msk [tilespmem:v5+s2+$0x0], $0xffff  }
0xe5: {  	v16 =	vshll.u32 v3, $0xA;
	v13 =	vld.idx.msk [tilespmem:v13+s2+$0x0], $0xffff;
	v24 =	vor.u32 v0, v20  }
0xe6: {  	v3 =	vor.u32 $0x80, v0;
	v23 =	vor.u32 v0, v16;
	v8 =	vld.idx.msk [tilespmem:v22+s2+$0x0], $0xffff  }
0xe7: {  	v22 =	vor.u32 v3, v21;
	v10 =	vld.idx.msk [tilespmem:v10+s2+$0x0], $0xffff  }
0xe8: {  	s24 =	simm.s32 $0x3600;
	v25 =	vor.u32 v3, v17;
	v11 =	vld.idx.msk [tilespmem:v11+s2+$0x0], $0xffff  }
0xe9: {  	v26 =	vor.u32 v3, v18;
	v12 =	vld.idx.msk [tilespmem:v12+s2+$0x0], $0xffff;
	[tilespmem:s24+$0xFFFFFE70] =	vst v5  }
0xea: {  	v27 =	vor.u32 v3, v19;
	[tilespmem:s24+$0xFFFFFE10] =	vst v13;
	v13 =	vld.idx.msk [tilespmem:v24+s2+$0x0], $0xffff  }
0xeb: {  	v28 =	vor.u32 v3, v14;
	v23 =	vld.idx.msk [tilespmem:v23+s2+$0x0], $0xffff;
	[tilespmem:s24+$0xFFFFFE20] =	vst v8  }
0xec: {  	v29 =	vor.u32 v3, v15;
	[tilespmem:s24+$0xFFFFFE30] =	vst v10;
	v22 =	vld.idx.msk [tilespmem:v22+s2+$0x0], $0xffff  }
0xed: {  	[tilespmem:s24+$0xFFFFFE40] =	vst v11;
	v24 =	vld.idx.msk [tilespmem:v25+s2+$0x0], $0xffff;
	v25 =	vor.u32 v3, v20  }
0xee: {  	v5 =	vor.u32 $0x100, v0;
	[tilespmem:s24+$0xFFFFFE50] =	vst v12;
	v10 =	vld.idx.msk [tilespmem:v26+s2+$0x0], $0xffff;
	v26 =	vor.u32 v3, v16  }
0xef: {  	v8 =	vor.u32 v5, v21;
	v11 =	vld.idx.msk [tilespmem:v27+s2+$0x0], $0xffff;
	[tilespmem:s24+$0xFFFFFE00] =	vst v13  }
0xf0: {  	v27 =	vor.u32 v5, v17;
	v12 =	vld.idx.msk [tilespmem:v28+s2+$0x0], $0xffff;
	[tilespmem:s24+$0xFFFFFE60] =	vst v23  }
0xf1: {  	v44 =	vor.u32 v5, v18;
	v29 =	vld.idx.msk [tilespmem:v29+s2+$0x0], $0xffff;
	[tilespmem:s24+$0xFFFFFEF0] =	vst v22  }
0xf2: {  	v30 =	vor.u32 v5, v14;
	v23 =	vld.idx.msk [tilespmem:v25+s2+$0x0], $0xffff;
	[tilespmem:s24+$0xFFFFFE90] =	vst v24  }
0xf3: {  	v22 =	vor.u32 v5, v19;
	v24 =	vld.idx.msk [tilespmem:v26+s2+$0x0], $0xffff;
	[tilespmem:s24+$0xFFFFFEA0] =	vst v10  }
0xf4: {  	v31 =	vor.u32 v5, v15;
	[tilespmem:s24+$0xFFFFFEB0] =	vst v11;
	v13 =	vld.idx.msk [tilespmem:v8+s2+$0x0], $0xffff  }
0xf5: {  	v26 =	vor.u32 v5, v20;
	[tilespmem:s24+$0xFFFFFEC0] =	vst v12;
	v27 =	vld.idx.msk [tilespmem:v27+s2+$0x0], $0xffff  }
0xf6: {  	v45 =	vor.u32 v5, v16;
	[tilespmem:s24+$0xFFFFFED0] =	vst v29;
	v8 =	vor.u32 $0x180, v0;
	v11 =	vld.idx.msk [tilespmem:v44+s2+$0x0], $0xffff  }
0xf7: {  	v30 =	vld.idx.msk [tilespmem:v30+s2+$0x0], $0xffff;
	v25 =	vor.u32 v8, v21;
	[tilespmem:s24+$0xFFFFFE80] =	vst v23  }
0xf8: {  	v12 =	vld.idx.msk [tilespmem:v22+s2+$0x0], $0xffff;
	[tilespmem:s24+$0xFFFFFEE0] =	vst v24  }
0xf9: {  	v22 =	vor.u32 v8, v17;
	v24 =	vld.idx.msk [tilespmem:v31+s2+$0x0], $0xffff;
	[tilespmem:s24+$0xFFFFFF70] =	vst v13  }
0xfa: {  	v48 =	vor.u32 v8, v14;
	v26 =	vld.idx.msk [tilespmem:v26+s2+$0x0], $0xffff;
	[tilespmem:s24+$0xFFFFFF10] =	vst v27  }
0xfb: {  	v13 =	vor.u32 v8, v18;
	v27 =	vld.idx.msk [tilespmem:v45+s2+$0x0], $0xffff;
	[tilespmem:s24+$0xFFFFFF20] =	vst v11  }
0xfc: {  	v32 =	vor.u32 v8, v15;
	[tilespmem:s24+$0xFFFFFF40] =	vst v30;
	v23 =	vld.idx.msk [tilespmem:v25+s2+$0x0], $0xffff  }
0xfd: {  	v44 =	vld [tilespmem:s25+$0x20];
	v47 =	vor.u32 v8, v20;
	[tilespmem:s24+$0xFFFFFF30] =	vst v12  }
0xfe: {  	v10 =	vor.u32 $0x200, v0;
	v25 =	vor.u32 v8, v19;
	v22 =	vld.idx.msk [tilespmem:v22+s2+$0x0], $0xffff;
	[tilespmem:s24+$0xFFFFFF50] =	vst v24  }
0xff: {  	v46 =	vor.u32 v10, v21;
	v24 =	vld.idx.msk [tilespmem:v48+s2+$0x0], $0xffff;
	[tilespmem:s24+$0xFFFFFF00] =	vst v26  }
0x100: {  	v12 =	vld.idx.msk [tilespmem:v13+s2+$0x0], $0xffff;
	v13 =	vor.u32 v8, v16;
	[tilespmem:s24+$0xFFFFFF60] =	vst v27  }
0x101: {  	v27 =	vld.idx.msk [tilespmem:v32+s2+$0x0], $0xffff;
	[tilespmem:s24+$0xFFFFFFF0] =	vst v23;
	v23 =	vor.u32 v10, v17  }
0x102: {  	v49 =	vor.u32 v10, v18;
	v50 =	vld.idx.msk [tilespmem:v47+s2+$0x0], $0xffff  }
0x103: {  	v33 =	vor.u32 v10, v15;
	v25 =	vld.idx.msk [tilespmem:v25+s2+$0x0], $0xffff  }
0x104: {  	v52 =	vor.u32 v10, v20;
	v26 =	vld.idx.msk [tilespmem:v46+s2+$0x0], $0xffff;
	[tilespmem:s24+$0xFFFFFF90] =	vst v22  }
0x105: {  	v53 =	vor.u32 v10, v19;
	v11 =	vor.u32 $0x280, v0;
	v13 =	vld.idx.msk [tilespmem:v13+s2+$0x0], $0xffff;
	[tilespmem:s24+$0xFFFFFFA0] =	vst v12  }
0x106: {  	v51 =	vor.u32 v11, v21;
	[tilespmem:s24+$0xFFFFFFD0] =	vst v27;
	v23 =	vld.idx.msk [tilespmem:v23+s2+$0x0], $0xffff  }
0x107: {  	v22 =	vor.u32 v10, v14;
	v29 =	vld.idx.msk [tilespmem:v49+s2+$0x0], $0xffff;
	[tilespmem:s24+$0xFFFFFF80] =	vst v50  }
0x108: {  	[tilespmem:s24+$0xFFFFFFB0] =	vst v25;
	v33 =	vld.idx.msk [tilespmem:v33+s2+$0x0], $0xffff  }
0x109: {  	[tilespmem:s24+$0x70] =	vst v26;
	v26 =	vor.u32 v10, v16;
	v25 =	vld.idx.msk [tilespmem:v52+s2+$0x0], $0xffff  }
0x10a: {  	v54 =	vor.u32 v11, v17;
	[tilespmem:s24+$0xFFFFFFC0] =	vst v24;
	v24 =	vld.idx.msk [tilespmem:v53+s2+$0x0], $0xffff  }
0x10b: {  	v56 =	vor.u32 v11, v20;
	v27 =	vor.u32 v11, v18;
	v28 =	vld.idx.msk [tilespmem:v51+s2+$0x0], $0xffff  }
0x10c: {  	v58 =	vor.u32 v11, v16;
	v12 =	vor.u32 $0x300, v0;
	v22 =	vld.idx.msk [tilespmem:v22+s2+$0x0], $0xffff;
	[tilespmem:s24+$0xFFFFFFE0] =	vst v13;
	v13 =	vor.u32 $0x380, v0  }
0x10d: {  	v55 =	vor.u32 v12, v21;
	v39 =	vor.u32 v12, v16;
	[tilespmem:s24+$0x10] =	vst v23;
	v43 =	vor.u32 v13, v16;
	v16 =	vld [tilespmem:s25+$0x10]  }
0x10e: {  	v34 =	vor.u32 v11, v19;
	[tilespmem:s24+$0x20] =	vst v29;
	v23 =	vld.idx.msk [tilespmem:v26+s2+$0x0], $0xffff  }
0x10f: {  	v26 =	vor.u32 v11, v14;
	v30 =	vld.idx.msk [tilespmem:v54+s2+$0x0], $0xffff;
	[tilespmem:s24+$0x0] =	vst v25  }
0x110: {  	v57 =	vor.u32 v11, v15;
	[tilespmem:s24+$0x30] =	vst v24;
	v24 =	vld.idx.msk [tilespmem:v27+s2+$0x0], $0xffff  }
0x111: {  	[tilespmem:s24+$0xF0] =	vst v28;
	v59 =	vld.idx.msk [tilespmem:v56+s2+$0x0], $0xffff  }
0x112: {  	v60 =	vor.u32 v12, v17;
	[tilespmem:s24+$0x50] =	vst v33;
	v25 =	vld.idx.msk [tilespmem:v55+s2+$0x0], $0xffff  }
0x113: {  	v27 =	vor.u32 v12, v20;
	[tilespmem:s24+$0x40] =	vst v22;
	v22 =	vld.idx.msk [tilespmem:v34+s2+$0x0], $0xffff  }
0x114: {  	v61 =	vor.u32 v12, v18;
	v26 =	vld.idx.msk [tilespmem:v26+s2+$0x0], $0xffff;
	[tilespmem:s24+$0x60] =	vst v23  }
0x115: {  	v21 =	vor.u32 v13, v21;
	v23 =	vld.idx.msk [tilespmem:v57+s2+$0x0], $0xffff;
	[tilespmem:s24+$0x90] =	vst v30  }
0x116: {  	v62 =	vor.u32 v12, v19;
	v16 =	vshll.u32 v16, $0xA;
	[tilespmem:s24+$0xA0] =	vst v24;
	v31 =	vld.idx.msk [tilespmem:v58+s2+$0x0], $0xffff  }
0x117: {  	v47 =	vor.u32 v0, v16;
	[tilespmem:s24+$0x80] =	vst v59;
	v24 =	vld.idx.msk [tilespmem:v60+s2+$0x0], $0xffff  }
0x118: {  	[tilespmem:s24+$0x170] =	vst v25;
	v25 =	vor.u32 v12, v14;
	v27 =	vld.idx.msk [tilespmem:v27+s2+$0x0], $0xffff  }
0x119: {  	[tilespmem:s24+$0xB0] =	vst v22;
	v22 =	vld.idx.msk [tilespmem:v61+s2+$0x0], $0xffff  }
0x11a: {  	v17 =	vor.u32 v13, v17;
	v63 =	vld.idx.msk [tilespmem:v21+s2+$0x0], $0xffff  }
0x11b: {  	[tilespmem:s24+$0xC0] =	vst v26;
	v26 =	vld.idx.msk [tilespmem:v62+s2+$0x0], $0xffff  }
0x11c: {  	v18 =	vor.u32 v13, v18;
	[tilespmem:s24+$0xD0] =	vst v23;
	v29 =	vld.idx.msk [tilespmem:v47+s2+$0x0], $0xffff  }
0x11d: {  	[tilespmem:s24+$0xE0] =	vst v31;
	v23 =	vld.idx.msk [tilespmem:v25+s2+$0x0], $0xffff  }
0x11e: {  	v21 =	vor.u32 v12, v15;
	[tilespmem:s24+$0x110] =	vst v24;
	v25 =	vld.idx.msk [tilespmem:v39+s2+$0x0], $0xffff  }
0x11f: {  	v19 =	vor.u32 v13, v19;
	v24 =	vld.idx.msk [tilespmem:v17+s2+$0x0], $0xffff  }
0x120: {  	[tilespmem:s24+$0x120] =	vst v22;
	v17 =	vld [tilespmem:s25+$0x30]  }
0x121: {  	v20 =	vor.u32 v13, v20;
	v40 =	vld.idx.msk [tilespmem:v18+s2+$0x0], $0xffff  }
0x122: {  	v18 =	vld [tilespmem:s25+$0xFFFFFFD0]  }
0x123: {  	v14 =	vor.u32 v13, v14;
	v21 =	vld.idx.msk [tilespmem:v21+s2+$0x0], $0xffff;
	[tilespmem:s24+$0x130] =	vst v26  }
0x124: {  	v15 =	vor.u32 v13, v15;
	v26 =	vld.idx.msk [tilespmem:v19+s2+$0x0], $0xffff  }
0x125: {  	[tilespmem:s24+$0x100] =	vst v27;
	v19 =	vld [tilespmem:s25+$0xFFFFFFE0];
	v22 =	vshll.u32 v17, $0xA  }
0x126: {  	v27 =	vld.idx.msk [tilespmem:v20+s2+$0x0], $0xffff;
	v17 =	vshll.u32 v42, $0xA;
	v45 =	vor.u32 v0, v22  }
0x127: {  	[tilespmem:s24+$0x140] =	vst v23;
	v23 =	vld [tilespmem:s25+$0xFFFFFFC0];
	v18 =	vshll.u32 v18, $0xA;
	v31 =	vor.u32 v0, v17  }
0x128: {  	[tilespmem:s24+$0x150] =	vst v21;
	v21 =	vshll.u32 v41, $0xA;
	v46 =	vld.idx.msk [tilespmem:v14+s2+$0x0], $0xffff;
	v35 =	vor.u32 v0, v18  }
0x129: {  	[tilespmem:s24+$0x160] =	vst v25;
	v25 =	vor.u32 v0, v21;
	v14 =	vld.idx.msk [tilespmem:v15+s2+$0x0], $0xffff  }
0x12a: {  	v54 =	vor.u32 v3, v16;
	[tilespmem:s24+$0x1F0] =	vst v63;
	v15 =	vld.idx.msk [tilespmem:v43+s2+$0x0], $0xffff;
	v20 =	vshll.u32 v19, $0xA  }
0x12b: {  	[tilespmem:s24+$0x190] =	vst v24;
	v19 =	vshll.u32 v44, $0xA;
	v36 =	vor.u32 v0, v20;
	v48 =	vld.idx.msk [tilespmem:v45+s2+$0x0], $0xffff  }
0x12c: {  	[tilespmem:s24+$0x180] =	vst v27;
	v33 =	vor.u32 v0, v19;
	v31 =	vld.idx.msk [tilespmem:v31+s2+$0x0], $0xffff  }
0x12d: {  	s25 =	simm.s32 $0x3A00;
	v49 =	vor.u32 v3, v22;
	[tilespmem:s24+$0x1A0] =	vst v40;
	v27 =	vld.idx.msk [tilespmem:v35+s2+$0x0], $0xffff  }
0x12e: {  	v53 =	vor.u32 v3, v17;
	[tilespmem:s25+$0xFFFFFE50] =	vst v29;
	v23 =	vshll.u32 v23, $0xA;
	v25 =	vld.idx.msk [tilespmem:v25+s2+$0x0], $0xffff  }
0x12f: {  	v34 =	vld.idx.msk [tilespmem:v54+s2+$0x0], $0xffff;
	[tilespmem:s24+$0x1B0] =	vst v26;
	v50 =	vor.u32 v0, v23  }
0x130: {  	v26 =	vor.u32 v3, v18;
	v24 =	vld.idx.msk [tilespmem:v36+s2+$0x0], $0xffff;
	[tilespmem:s25+$0xFFFFFE70] =	vst v48  }
0x131: {  	v52 =	vor.u32 v3, v21;
	v33 =	vld.idx.msk [tilespmem:v33+s2+$0x0], $0xffff;
	[tilespmem:s25+$0xFFFFFE40] =	vst v31  }
0x132: {  	v51 =	vor.u32 v3, v20;
	[tilespmem:s25+$0xFFFFFE10] =	vst v27;
	v27 =	vld.idx.msk [tilespmem:v49+s2+$0x0], $0xffff  }
0x133: {  	[tilespmem:s25+$0xFFFFFE30] =	vst v25;
	v25 =	vor.u32 v5, v22;
	v32 =	vld.idx.msk [tilespmem:v53+s2+$0x0], $0xffff  }
0x134: {  	v58 =	vor.u32 v5, v17;
	[tilespmem:s24+$0x1C0] =	vst v46;
	v28 =	vld.idx.msk [tilespmem:v50+s2+$0x0], $0xffff  }
0x135: {  	[tilespmem:s25+$0xFFFFFE20] =	vst v24;
	v24 =	vld.idx.msk [tilespmem:v26+s2+$0x0], $0xffff;
	v26 =	vor.u32 v3, v23  }
0x136: {  	v55 =	vor.u32 v3, v19;
	[tilespmem:s25+$0xFFFFFED0] =	vst v34;
	v30 =	vld.idx.msk [tilespmem:v52+s2+$0x0], $0xffff  }
0x137: {  	v56 =	vor.u32 v5, v18;
	v35 =	vld.idx.msk [tilespmem:v51+s2+$0x0], $0xffff;
	[tilespmem:s25+$0xFFFFFEF0] =	vst v27  }
0x138: {  	v57 =	vor.u32 v5, v20;
	[tilespmem:s25+$0xFFFFFEC0] =	vst v32;
	v25 =	vld.idx.msk [tilespmem:v25+s2+$0x0], $0xffff  }
0x139: {  	[tilespmem:s25+$0xFFFFFE00] =	vst v28;
	v27 =	vor.u32 v5, v21;
	v28 =	vld.idx.msk [tilespmem:v58+s2+$0x0], $0xffff  }
0x13a: {  	v59 =	vor.u32 v8, v22;
	[tilespmem:s25+$0xFFFFFE60] =	vst v33;
	v26 =	vld.idx.msk [tilespmem:v26+s2+$0x0], $0xffff  }
0x13b: {  	v61 =	vor.u32 v5, v16;
	[tilespmem:s25+$0xFFFFFE90] =	vst v24;
	v24 =	vld.idx.msk [tilespmem:v55+s2+$0x0], $0xffff  }
0x13c: {  	v60 =	vor.u32 v5, v23;
	[tilespmem:s25+$0xFFFFFEA0] =	vst v35;
	v29 =	vld.idx.msk [tilespmem:v56+s2+$0x0], $0xffff  }
0x13d: {  	v62 =	vor.u32 v5, v19;
	[tilespmem:s25+$0xFFFFFEB0] =	vst v30;
	v33 =	vld.idx.msk [tilespmem:v57+s2+$0x0], $0xffff  }
0x13e: {  	v63 =	vor.u32 v8, v18;
	v27 =	vld.idx.msk [tilespmem:v27+s2+$0x0], $0xffff;
	[tilespmem:s25+$0xFFFFFF70] =	vst v25  }
0x13f: {  	v25 =	vor.u32 v8, v20;
	[tilespmem:s25+$0xFFFFFE80] =	vst v26;
	v26 =	vld.idx.msk [tilespmem:v59+s2+$0x0], $0xffff  }
0x140: {  	v36 =	vor.u32 v8, v21;
	[tilespmem:s25+$0xFFFFFEE0] =	vst v24;
	v24 =	vld.idx.msk [tilespmem:v61+s2+$0x0], $0xffff  }
0x141: {  	v39 =	vor.u32 v8, v17;
	[tilespmem:s25+$0xFFFFFF40] =	vst v28;
	v35 =	vld.idx.msk [tilespmem:v60+s2+$0x0], $0xffff  }
0x142: {  	v37 =	vor.u32 v10, v22;
	[tilespmem:s25+$0xFFFFFF10] =	vst v29;
	v32 =	vld.idx.msk [tilespmem:v62+s2+$0x0], $0xffff  }
0x143: {  	v38 =	vor.u32 v8, v23;
	[tilespmem:s25+$0xFFFFFF20] =	vst v33;
	v34 =	vld.idx.msk [tilespmem:v63+s2+$0x0], $0xffff  }
0x144: {  	[tilespmem:s25+$0xFFFFFF30] =	vst v27;
	v27 =	vor.u32 v8, v16;
	v25 =	vld.idx.msk [tilespmem:v25+s2+$0x0], $0xffff  }
0x145: {  	v40 =	vor.u32 v8, v19;
	v31 =	vld.idx.msk [tilespmem:v36+s2+$0x0], $0xffff;
	[tilespmem:s25+$0xFFFFFFF0] =	vst v26  }
0x146: {  	v41 =	vor.u32 v10, v20;
	[tilespmem:s25+$0xFFFFFF50] =	vst v24;
	v24 =	vld.idx.msk [tilespmem:v39+s2+$0x0], $0xffff  }
0x147: {  	v26 =	vor.u32 v10, v18;
	[tilespmem:s25+$0xFFFFFF00] =	vst v35;
	v29 =	vld.idx.msk [tilespmem:v37+s2+$0x0], $0xffff  }
0x148: {  	v44 =	vor.u32 v10, v21;
	[tilespmem:s25+$0xFFFFFF60] =	vst v32;
	v30 =	vld.idx.msk [tilespmem:v38+s2+$0x0], $0xffff  }
0x149: {  	v45 =	vor.u32 v10, v17;
	[tilespmem:s25+$0xFFFFFF90] =	vst v34;
	v27 =	vld.idx.msk [tilespmem:v27+s2+$0x0], $0xffff  }
0x14a: {  	v42 =	vor.u32 v11, v22;
	[tilespmem:s25+$0xFFFFFFA0] =	vst v25;
	v25 =	vld.idx.msk [tilespmem:v40+s2+$0x0], $0xffff  }
0x14b: {  	v43 =	vor.u32 v10, v23;
	[tilespmem:s25+$0xFFFFFFB0] =	vst v31;
	v35 =	vld.idx.msk [tilespmem:v41+s2+$0x0], $0xffff  }
0x14c: {  	v47 =	vor.u32 v10, v19;
	v26 =	vld.idx.msk [tilespmem:v26+s2+$0x0], $0xffff;
	[tilespmem:s25+$0xFFFFFFC0] =	vst v24  }
0x14d: {  	v46 =	vor.u32 v10, v16;
	v24 =	vld.idx.msk [tilespmem:v44+s2+$0x0], $0xffff;
	[tilespmem:s25+$0x70] =	vst v29  }
0x14e: {  	v49 =	vor.u32 v11, v18;
	v28 =	vld.idx.msk [tilespmem:v45+s2+$0x0], $0xffff;
	[tilespmem:s25+$0xFFFFFF80] =	vst v30  }
0x14f: {  	v51 =	vor.u32 v11, v21;
	v48 =	vld.idx.msk [tilespmem:v42+s2+$0x0], $0xffff;
	[tilespmem:s25+$0xFFFFFFD0] =	vst v27  }
0x150: {  	v52 =	vor.u32 v11, v17;
	v33 =	vld.idx.msk [tilespmem:v43+s2+$0x0], $0xffff;
	[tilespmem:s25+$0xFFFFFFE0] =	vst v25  }
0x151: {  	v27 =	vor.u32 v12, v22;
	[tilespmem:s25+$0x20] =	vst v35;
	v29 =	vld.idx.msk [tilespmem:v47+s2+$0x0], $0xffff  }
0x152: {  	v25 =	vor.u32 v11, v20;
	[tilespmem:s25+$0x10] =	vst v26;
	v26 =	vld.idx.msk [tilespmem:v46+s2+$0x0], $0xffff  }
0x153: {  	v50 =	vor.u32 v11, v23;
	[tilespmem:s25+$0x30] =	vst v24;
	v32 =	vld.idx.msk [tilespmem:v49+s2+$0x0], $0xffff  }
0x154: {  	v54 =	vor.u32 v11, v19;
	[tilespmem:s25+$0x40] =	vst v28;
	v55 =	vld.idx.msk [tilespmem:v51+s2+$0x0], $0xffff  }
0x155: {  	v53 =	vor.u32 v11, v16;
	[tilespmem:s25+$0xF0] =	vst v48;
	v56 =	vld.idx.msk [tilespmem:v52+s2+$0x0], $0xffff  }
0x156: {  	v58 =	vor.u32 v12, v21;
	[tilespmem:s25+$0x0] =	vst v33;
	v27 =	vld.idx.msk [tilespmem:v27+s2+$0x0], $0xffff  }
0x157: {  	v22 =	vor.u32 v13, v22;
	v24 =	vld.idx.msk [tilespmem:v25+s2+$0x0], $0xffff;
	[tilespmem:s25+$0x60] =	vst v29  }
0x158: {  	v57 =	vor.u32 v12, v20;
	v34 =	vld.idx.msk [tilespmem:v50+s2+$0x0], $0xffff;
	[tilespmem:s25+$0x50] =	vst v26  }
0x159: {  	v25 =	vor.u32 v12, v23;
	v33 =	vld.idx.msk [tilespmem:v54+s2+$0x0], $0xffff;
	[tilespmem:s25+$0x90] =	vst v32  }
0x15a: {  	v26 =	vor.u32 v12, v18;
	v30 =	vld.idx.msk [tilespmem:v53+s2+$0x0], $0xffff;
	[tilespmem:s25+$0xB0] =	vst v55  }
0x15b: {  	v59 =	vor.u32 v12, v16;
	v62 =	vld.idx.msk [tilespmem:v58+s2+$0x0], $0xffff;
	[tilespmem:s25+$0x170] =	vst v27  }
0x15c: {  	v27 =	vor.u32 v12, v17;
	[tilespmem:s25+$0xA0] =	vst v24;
	v22 =	vld.idx.msk [tilespmem:v22+s2+$0x0], $0xffff  }
0x15d: {  	v24 =	vor.u32 v12, v19;
	[tilespmem:s25+$0x80] =	vst v34;
	v60 =	vld.idx.msk [tilespmem:v57+s2+$0x0], $0xffff  }
0x15e: {  	v63 =	vor.u32 v13, v21;
	[tilespmem:s25+$0xC0] =	vst v56;
	v25 =	vld.idx.msk [tilespmem:v25+s2+$0x0], $0xffff  }
0x15f: {  	v23 =	vor.u32 v13, v23;
	v26 =	vld.idx.msk [tilespmem:v26+s2+$0x0], $0xffff;
	[tilespmem:s25+$0xD0] =	vst v30  }
0x160: {  	v61 =	vor.u32 v13, v18;
	[tilespmem:s25+$0xE0] =	vst v33;
	v18 =	vld.idx.msk [tilespmem:v59+s2+$0x0], $0xffff  }
0x161: {  	v20 =	vor.u32 v13, v20;
	[tilespmem:s25+$0x130] =	vst v62;
	v27 =	vld.idx.msk [tilespmem:v27+s2+$0x0], $0xffff  }
0x162: {  	v24 =	vld.idx.msk [tilespmem:v24+s2+$0x0], $0xffff;
	[tilespmem:s25+$0x1F0] =	vst v22  }
0x163: {  	v22 =	vor.u32 v13, v19;
	v19 =	vld.idx.msk [tilespmem:v63+s2+$0x0], $0xffff;
	[tilespmem:s25+$0x100] =	vst v25  }
0x164: {  	[tilespmem:s25+$0x110] =	vst v26;
	v23 =	vld.idx.msk [tilespmem:v23+s2+$0x0], $0xffff  }
0x165: {  	[tilespmem:s25+$0x120] =	vst v60;
	v25 =	vld.idx.msk [tilespmem:v61+s2+$0x0], $0xffff  }
0x166: {  	s26 =	simm.s32 $0x8;
	s28 =	simm.s32 $0x2140;
	v21 =	vor.u32 v13, v17;
	v17 =	vld.idx.msk [tilespmem:v20+s2+$0x0], $0xffff;
	v20 =	vor.u32 v13, v16;
	[tilespmem:s25+$0x140] =	vst v27  }
.LBB2_3:
0x167: {  	v16 =	vld [tilespmem:s28+$0x30];
	s26 =	sadd.s32 $0x8, s26;
	[tilespmem:s25+$0x150] =	vst v18  }
0x168: {  	v18 =	vld [tilespmem:s28+$0xFFFFFFD0];
	p1 =	slt.u32 s26, $0x98;
	[tilespmem:s25+$0x160] =	vst v24  }
0x169: {  	v24 =	vld [tilespmem:s28+$0xFFFFFFE0];
	[tilespmem:s25+$0x180] =	vst v23  }
0x16a: {  	v23 =	vld [tilespmem:s28+$0xFFFFFFF0];
	[tilespmem:s25+$0x190] =	vst v25  }
0x16b: {  	v25 =	vld [tilespmem:s28+$0x0];
	[tilespmem:s25+$0x1A0] =	vst v17  }
0x16c: {  	v26 =	vld [tilespmem:s28+$0x10];
	v16 =	vshll.u32 v16, $0xA;
	[tilespmem:s25+$0x1B0] =	vst v19  }
0x16d: {  	v17 =	vshll.u32 v18, $0xA;
	v27 =	vld [tilespmem:s28+$0x20];
	v28 =	vor.u32 v0, v16;
	[tilespmem:s24+$0x1D0] =	vst v14  }
0x16e: {  	v29 =	vld [tilespmem:s28+$0xFFFFFFC0];
	v30 =	vor.u32 v0, v17;
	v18 =	vshll.u32 v24, $0xA;
	[tilespmem:s24+$0x1E0] =	vst v15;
	s24 =	smov.u32 s25  }
0x16f: {  	v24 =	vor.u32 v0, v18;
	v19 =	vshll.u32 v23, $0xA;
	v31 =	vld.idx.msk [tilespmem:v21+s2+$0x0], $0xffff  }
0x170: {  	v32 =	vor.u32 v0, v19;
	v21 =	vshll.u32 v25, $0xA;
	v14 =	vld.idx.msk [tilespmem:v20+s2+$0x0], $0xffff  }
0x171: {  	v25 =	vor.u32 v0, v21;
	v20 =	vshll.u32 v26, $0xA;
	v15 =	vld.idx.msk [tilespmem:v22+s2+$0x0], $0xffff  }
0x172: {  	v26 =	vor.u32 v0, v20;
	v22 =	vshll.u32 v27, $0xA;
	v27 =	vld.idx.msk [tilespmem:v28+s2+$0x0], $0xffff  }
0x173: {  	v23 =	vshll.u32 v29, $0xA;
	v28 =	vld.idx.msk [tilespmem:v30+s2+$0x0], $0xffff;
	v29 =	vor.u32 v0, v22  }
0x174: {  	v34 =	vor.u32 v3, v16;
	v30 =	vor.u32 v0, v23;
	v33 =	vor.u32 v3, v23;
	v24 =	vld.idx.msk [tilespmem:v24+s2+$0x0], $0xffff  }
0x175: {  	v35 =	vor.u32 v3, v17;
	v36 =	vor.u32 v3, v18;
	v37 =	vor.u32 v3, v19;
	v32 =	vld.idx.msk [tilespmem:v32+s2+$0x0], $0xffff  }
0x176: {  	v38 =	vor.u32 v3, v21;
	v39 =	vor.u32 v3, v20;
	v40 =	vor.u32 v3, v22;
	v25 =	vld.idx.msk [tilespmem:v25+s2+$0x0], $0xffff  }
0x177: {  	s25 =	sadd.s32 $0x400, s25;
	v26 =	vld.idx.msk [tilespmem:v26+s2+$0x0], $0xffff;
	[tilespmem:s24+$0x1C0] =	vst v31  }
0x178: {  	v29 =	vld.idx.msk [tilespmem:v29+s2+$0x0], $0xffff;
	[tilespmem:s25+$0xFFFFFE70] =	vst v27  }
0x179: {  	[tilespmem:s25+$0xFFFFFE10] =	vst v28;
	v27 =	vld.idx.msk [tilespmem:v34+s2+$0x0], $0xffff  }
0x17a: {  	v28 =	vld.idx.msk [tilespmem:v30+s2+$0x0], $0xffff;
	[tilespmem:s25+$0xFFFFFE20] =	vst v24  }
0x17b: {  	v31 =	vor.u32 v5, v16;
	v24 =	vor.u32 v5, v23;
	v30 =	vld.idx.msk [tilespmem:v35+s2+$0x0], $0xffff;
	[tilespmem:s25+$0xFFFFFE30] =	vst v32  }
0x17c: {  	v32 =	vor.u32 v5, v17;
	v35 =	vor.u32 v5, v18;
	v34 =	vld.idx.msk [tilespmem:v36+s2+$0x0], $0xffff;
	[tilespmem:s25+$0xFFFFFE40] =	vst v25  }
0x17d: {  	v36 =	vor.u32 v5, v19;
	v25 =	vld.idx.msk [tilespmem:v37+s2+$0x0], $0xffff;
	v37 =	vor.u32 v5, v21;
	[tilespmem:s25+$0xFFFFFE50] =	vst v26  }
0x17e: {  	v26 =	vld.idx.msk [tilespmem:v38+s2+$0x0], $0xffff;
	v38 =	vor.u32 v5, v20;
	[tilespmem:s25+$0xFFFFFE60] =	vst v29;
	v29 =	vor.u32 v5, v22  }
0x17f: {  	v39 =	vld.idx.msk [tilespmem:v39+s2+$0x0], $0xffff;
	[tilespmem:s25+$0xFFFFFEF0] =	vst v27  }
0x180: {  	[tilespmem:s25+$0xFFFFFE00] =	vst v28;
	v27 =	vld.idx.msk [tilespmem:v31+s2+$0x0], $0xffff  }
0x181: {  	v28 =	vld.idx.msk [tilespmem:v33+s2+$0x0], $0xffff;
	[tilespmem:s25+$0xFFFFFE90] =	vst v30  }
0x182: {  	v30 =	vor.u32 v8, v23;
	v33 =	vor.u32 v8, v16;
	[tilespmem:s25+$0xFFFFFEA0] =	vst v34;
	v31 =	vld.idx.msk [tilespmem:v40+s2+$0x0], $0xffff  }
0x183: {  	v34 =	vor.u32 v8, v17;
	v40 =	vor.u32 v8, v18;
	v32 =	vld.idx.msk [tilespmem:v32+s2+$0x0], $0xffff;
	[tilespmem:s25+$0xFFFFFEB0] =	vst v25  }
0x184: {  	v25 =	vld.idx.msk [tilespmem:v35+s2+$0x0], $0xffff;
	v35 =	vor.u32 v8, v19;
	[tilespmem:s25+$0xFFFFFEC0] =	vst v26;
	v26 =	vor.u32 v8, v21  }
0x185: {  	v41 =	vor.u32 v8, v22;
	v36 =	vld.idx.msk [tilespmem:v36+s2+$0x0], $0xffff;
	[tilespmem:s25+$0xFFFFFED0] =	vst v39;
	v39 =	vor.u32 v8, v20  }
0x186: {  	v37 =	vld.idx.msk [tilespmem:v37+s2+$0x0], $0xffff;
	[tilespmem:s25+$0xFFFFFF70] =	vst v27  }
0x187: {  	[tilespmem:s25+$0xFFFFFE80] =	vst v28;
	v27 =	vld.idx.msk [tilespmem:v33+s2+$0x0], $0xffff  }
0x188: {  	v24 =	vld.idx.msk [tilespmem:v24+s2+$0x0], $0xffff;
	[tilespmem:s25+$0xFFFFFEE0] =	vst v31  }
0x189: {  	v28 =	vor.u32 v10, v23;
	[tilespmem:s25+$0xFFFFFF10] =	vst v32;
	v31 =	vld.idx.msk [tilespmem:v38+s2+$0x0], $0xffff;
	v32 =	vor.u32 v10, v16  }
0x18a: {  	v33 =	vor.u32 v10, v17;
	[tilespmem:s25+$0xFFFFFF20] =	vst v25;
	v25 =	vor.u32 v10, v18;
	v29 =	vld.idx.msk [tilespmem:v29+s2+$0x0], $0xffff  }
0x18b: {  	v38 =	vor.u32 v10, v21;
	v34 =	vld.idx.msk [tilespmem:v34+s2+$0x0], $0xffff;
	[tilespmem:s25+$0xFFFFFF30] =	vst v36;
	v36 =	vor.u32 v10, v19  }
0x18c: {  	v42 =	vor.u32 v10, v22;
	v40 =	vld.idx.msk [tilespmem:v40+s2+$0x0], $0xffff;
	[tilespmem:s25+$0xFFFFFF40] =	vst v37;
	v37 =	vor.u32 v10, v20  }
0x18d: {  	v35 =	vld.idx.msk [tilespmem:v35+s2+$0x0], $0xffff;
	[tilespmem:s25+$0xFFFFFFF0] =	vst v27  }
0x18e: {  	[tilespmem:s25+$0xFFFFFF00] =	vst v24;
	v24 =	vld.idx.msk [tilespmem:v32+s2+$0x0], $0xffff  }
0x18f: {  	v27 =	vld.idx.msk [tilespmem:v30+s2+$0x0], $0xffff;
	[tilespmem:s25+$0xFFFFFF50] =	vst v31  }
0x190: {  	v30 =	vor.u32 v11, v23;
	v26 =	vld.idx.msk [tilespmem:v26+s2+$0x0], $0xffff;
	[tilespmem:s25+$0xFFFFFF60] =	vst v29;
	v29 =	vor.u32 v11, v16  }
0x191: {  	v32 =	vor.u32 v11, v18;
	v31 =	vor.u32 v11, v17;
	[tilespmem:s25+$0xFFFFFF90] =	vst v34;
	v34 =	vld.idx.msk [tilespmem:v39+s2+$0x0], $0xffff  }
0x192: {  	v39 =	vor.u32 v11, v19;
	[tilespmem:s25+$0xFFFFFFA0] =	vst v40;
	v40 =	vor.u32 v11, v21;
	v41 =	vld.idx.msk [tilespmem:v41+s2+$0x0], $0xffff  }
0x193: {  	v43 =	vor.u32 v11, v22;
	v33 =	vld.idx.msk [tilespmem:v33+s2+$0x0], $0xffff;
	[tilespmem:s25+$0xFFFFFFB0] =	vst v35;
	v35 =	vor.u32 v11, v20  }
0x194: {  	v25 =	vld.idx.msk [tilespmem:v25+s2+$0x0], $0xffff;
	[tilespmem:s25+$0x70] =	vst v24  }
0x195: {  	[tilespmem:s25+$0xFFFFFF80] =	vst v27;
	v24 =	vld.idx.msk [tilespmem:v29+s2+$0x0], $0xffff  }
0x196: {  	v27 =	vld.idx.msk [tilespmem:v28+s2+$0x0], $0xffff;
	[tilespmem:s25+$0xFFFFFFC0] =	vst v26  }
0x197: {  	v29 =	vor.u32 v12, v16;
	v26 =	vor.u32 v12, v23;
	v28 =	vld.idx.msk [tilespmem:v36+s2+$0x0], $0xffff;
	[tilespmem:s25+$0xFFFFFFD0] =	vst v34  }
0x198: {  	v34 =	vor.u32 v12, v17;
	v36 =	vor.u32 v12, v18;
	v38 =	vld.idx.msk [tilespmem:v38+s2+$0x0], $0xffff;
	[tilespmem:s25+$0xFFFFFFE0] =	vst v41  }
0x199: {  	v41 =	vor.u32 v12, v21;
	[tilespmem:s25+$0x10] =	vst v33;
	v33 =	vor.u32 v12, v19;
	v37 =	vld.idx.msk [tilespmem:v37+s2+$0x0], $0xffff  }
0x19a: {  	v44 =	vor.u32 v12, v22;
	[tilespmem:s25+$0x20] =	vst v25;
	v25 =	vor.u32 v12, v20;
	v42 =	vld.idx.msk [tilespmem:v42+s2+$0x0], $0xffff  }
0x19b: {  	v31 =	vld.idx.msk [tilespmem:v31+s2+$0x0], $0xffff;
	[tilespmem:s25+$0xF0] =	vst v24  }
0x19c: {  	[tilespmem:s25+$0x0] =	vst v27;
	v24 =	vld.idx.msk [tilespmem:v29+s2+$0x0], $0xffff  }
0x19d: {  	v27 =	vld.idx.msk [tilespmem:v30+s2+$0x0], $0xffff;
	[tilespmem:s25+$0x30] =	vst v28  }
0x19e: {  	v16 =	vor.u32 v13, v16;
	v23 =	vor.u32 v13, v23;
	v28 =	vld.idx.msk [tilespmem:v32+s2+$0x0], $0xffff;
	[tilespmem:s25+$0x40] =	vst v38  }
0x19f: {  	v17 =	vor.u32 v13, v17;
	v29 =	vor.u32 v13, v18;
	v18 =	vld.idx.msk [tilespmem:v39+s2+$0x0], $0xffff;
	[tilespmem:s25+$0x50] =	vst v37  }
0x1a0: {  	v21 =	vor.u32 v13, v21;
	v19 =	vor.u32 v13, v19;
	v30 =	vld.idx.msk [tilespmem:v40+s2+$0x0], $0xffff;
	[tilespmem:s25+$0x60] =	vst v42  }
0x1a1: {  	v22 =	vor.u32 v13, v22;
	v20 =	vor.u32 v13, v20;
	[tilespmem:s25+$0x90] =	vst v31;
	v31 =	vld.idx.msk [tilespmem:v35+s2+$0x0], $0xffff  }
0x1a2: {  	v32 =	vld.idx.msk [tilespmem:v43+s2+$0x0], $0xffff;
	[tilespmem:s25+$0x170] =	vst v24  }
0x1a3: {  	[tilespmem:s25+$0x80] =	vst v27;
	v16 =	vld.idx.msk [tilespmem:v16+s2+$0x0], $0xffff  }
0x1a4: {  	v24 =	vld.idx.msk [tilespmem:v26+s2+$0x0], $0xffff;
	[tilespmem:s25+$0xA0] =	vst v28  }
0x1a5: {  	v26 =	vld.idx.msk [tilespmem:v34+s2+$0x0], $0xffff;
	[tilespmem:s25+$0xB0] =	vst v18  }
0x1a6: {  	v27 =	vld.idx.msk [tilespmem:v36+s2+$0x0], $0xffff;
	[tilespmem:s25+$0xC0] =	vst v30  }
0x1a7: {  	v28 =	vld.idx.msk [tilespmem:v33+s2+$0x0], $0xffff;
	[tilespmem:s25+$0xD0] =	vst v31  }
0x1a8: {  	v30 =	vld.idx.msk [tilespmem:v41+s2+$0x0], $0xffff;
	[tilespmem:s25+$0xE0] =	vst v32  }
0x1a9: {  	v18 =	vld.idx.msk [tilespmem:v25+s2+$0x0], $0xffff;
	[tilespmem:s25+$0x1F0] =	vst v16  }
.Ltmp2:
0x1aa: {  	[tilespmem:s25+$0x100] =	vst v24;
	v24 =	vld.idx.msk [tilespmem:v44+s2+$0x0], $0xffff;
	(pc) =	sbr.rel @p1 .LBB2_3-.Ltmp2, $4  }
0x1ab: {  	v23 =	vld.idx.msk [tilespmem:v23+s2+$0x0], $0xffff;
	[tilespmem:s25+$0x110] =	vst v26  }
0x1ac: {  	v25 =	vld.idx.msk [tilespmem:v17+s2+$0x0], $0xffff;
	[tilespmem:s25+$0x120] =	vst v27  }
0x1ad: {  	v17 =	vld.idx.msk [tilespmem:v29+s2+$0x0], $0xffff;
	[tilespmem:s25+$0x130] =	vst v28  }
0x1ae: {  	s28 =	sadd.s32 $0x80, s28;
	v19 =	vld.idx.msk [tilespmem:v19+s2+$0x0], $0xffff;
	[tilespmem:s25+$0x140] =	vst v30  }
0x1af: {  	_ = 	snop  }
0x1b0: {  	[tilespmem:s25+$0x150] =	vst v18  }
0x1b1: {  	[tilespmem:s25+$0x160] =	vst v24  }
0x1b2: {  	[tilespmem:s24+$0x1D0] =	vst v14  }
0x1b3: {  	v16 =	vld.idx.msk [tilespmem:v21+s2+$0x0], $0xffff;
	[tilespmem:s24+$0x1E0] =	vst v15  }
0x1b4: {  	[tilespmem:s25+$0x180] =	vst v23;
	v62 =	vld.idx.msk [tilespmem:v20+s2+$0x0], $0xffff  }
0x1b5: {  	v63 =	vld.idx.msk [tilespmem:v22+s2+$0x0], $0xffff;
	[tilespmem:s25+$0x190] =	vst v25  }
0x1b6: {  	p1 =	sne.s32 s23, $0x4;
	[tilespmem:s25+$0x1A0] =	vst v17  }
.Ltmp3:
0x1b7: {  	[tilespmem:s25+$0x1B0] =	vst v19;
	(pc) =	sbr.rel @p1 .LBB2_6-.Ltmp3, $4  }
0x1b8: {  	s24 =	smul.u32 $0x1400, s23;
	[tilespmem:s25+$0x1C0] =	vst v16  }
0x1b9: {  	[tilespmem:s25+$0x1D0] =	vst v62  }
0x1ba: {  	s31 =	sadd.s32 s24, s7;
	[tilespmem:s25+$0x1E0] =	vst v63  }
0x1bb: {  	[hbm4b:s31+s2] =	stream.linear.scatter [tilespmem:s17], [sflag:$0x3], $0x5000, $0x38;
	[tilespmem:$0xD800] =	vst v63  }
.Ltmp4:
0x1bc: {  	(pc) =	sbr.rel .LBB2_7-.Ltmp4, $4  }
0x1bd: {  	_ = 	snop  }
0x1be: {  	_ =	swait.ge [sflag:s18], $0xA00  }
0x1bf: {  	[sflag:s18] =	ssyncset.done $0x0  }
0x1c0: {  	[sflag:s18] =	ssyncadd.s32 $0xFFFFF600  }
.LBB2_6:
0x1c1: {  	s25 =	sadd.s32 s24, s8  }
0x1c2: {  	s25 =	sshrl.u32 s25, $0x3  }
.Ltmp5:
0x1c3: {  	s25 =	sadd.s32 s3, s25;
	(pc) =	sbr.rel @p0 .LBB2_8-.Ltmp5, $4  }
0x1c4: {  	[tilespmem:s14], [sflag:$0x1] =	stream.linear.gather [hbm4b:s25+s2], $0xA00, $0x38;
	[tilespmem:$0xD800] =	vst v63  }
0x1c5: {  	_ =	swait.ge [sflag:s18], $0xA00  }
0x1c6: {  	[sflag:s18] =	ssyncset.done $0x0  }
0x1c7: {  	[sflag:s18] =	ssyncadd.s32 $0xFFFFF600  }
.LBB2_7:
0x1c8: {  	_ =	swait.ge [sflag:s19], $0x5000  }
0x1c9: {  	[sflag:s19] =	ssyncset.done $0x0  }
0x1ca: {  	[sflag:s19] =	ssyncadd.s32 $0xFFFFB000  }
.LBB2_8:
0x1cb: {  	s25 =	simm.s32 $0x2A40  }
0x1cc: {  	v14 =	vld [tilespmem:s25+$0x30]  }
0x1cd: {  	v15 =	vld [tilespmem:s25+$0xFFFFFFD0]  }
0x1ce: {  	v16 =	vld [tilespmem:s25+$0xFFFFFFE0]  }
0x1cf: {  	v19 =	vld [tilespmem:s25+$0xFFFFFFF0]  }
0x1d0: {  	v20 =	vld [tilespmem:s25+$0x0]  }
0x1d1: {  	v22 =	vld [tilespmem:s25+$0x10]  }
0x1d2: {  	v23 =	vld [tilespmem:s25+$0x20];
	v21 =	vshll.u32 v14, $0xA  }
0x1d3: {  	v26 =	vld [tilespmem:s25+$0xFFFFFFC0];
	v17 =	vshll.u32 v15, $0xA;
	v24 =	vor.u32 v0, v21  }
0x1d4: {  	v18 =	vshll.u32 v16, $0xA;
	v25 =	vor.u32 v0, v17  }
0x1d5: {  	v19 =	vshll.u32 v19, $0xA;
	v27 =	vor.u32 v0, v18  }
0x1d6: {  	v14 =	vshll.u32 v20, $0xA;
	v28 =	vor.u32 v0, v19  }
0x1d7: {  	v15 =	vshll.u32 v22, $0xA;
	v29 =	vor.u32 v0, v14  }
0x1d8: {  	v16 =	vshll.u32 v23, $0xA;
	v20 =	vshll.u32 v26, $0xA;
	v22 =	vor.u32 v0, v15;
	v23 =	vld.idx.msk [tilespmem:v24+s2+$0x0], $0xffff  }
0x1d9: {  	v30 =	vor.u32 v0, v20;
	v24 =	vld.idx.msk [tilespmem:v25+s2+$0x0], $0xffff  }
0x1da: {  	v25 =	vor.u32 v0, v16;
	v26 =	vld.idx.msk [tilespmem:v27+s2+$0x0], $0xffff  }
0x1db: {  	v27 =	vor.u32 v3, v21;
	v28 =	vld.idx.msk [tilespmem:v28+s2+$0x0], $0xffff  }
0x1dc: {  	s25 =	simm.s32 $0x8600;
	v31 =	vor.u32 v3, v17;
	v29 =	vld.idx.msk [tilespmem:v29+s2+$0x0], $0xffff  }
0x1dd: {  	v32 =	vor.u32 v3, v18;
	v22 =	vld.idx.msk [tilespmem:v22+s2+$0x0], $0xffff;
	[tilespmem:s25+$0xFFFFFE70] =	vst v23  }
0x1de: {  	v33 =	vor.u32 v3, v19;
	[tilespmem:s25+$0xFFFFFE10] =	vst v24;
	v24 =	vld.idx.msk [tilespmem:v30+s2+$0x0], $0xffff  }
0x1df: {  	v34 =	vor.u32 v3, v15;
	v25 =	vld.idx.msk [tilespmem:v25+s2+$0x0], $0xffff;
	[tilespmem:s25+$0xFFFFFE20] =	vst v26  }
0x1e0: {  	v23 =	vor.u32 v3, v14;
	[tilespmem:s25+$0xFFFFFE30] =	vst v28;
	v27 =	vld.idx.msk [tilespmem:v27+s2+$0x0], $0xffff  }
0x1e1: {  	v47 =	vor.u32 v3, v20;
	[tilespmem:s25+$0xFFFFFE40] =	vst v29;
	v26 =	vld.idx.msk [tilespmem:v31+s2+$0x0], $0xffff  }
0x1e2: {  	v49 =	vor.u32 v3, v16;
	[tilespmem:s25+$0xFFFFFE50] =	vst v22;
	v48 =	vld.idx.msk [tilespmem:v32+s2+$0x0], $0xffff  }
0x1e3: {  	v46 =	vor.u32 v5, v21;
	v50 =	vld.idx.msk [tilespmem:v33+s2+$0x0], $0xffff;
	[tilespmem:s25+$0xFFFFFE00] =	vst v24  }
0x1e4: {  	v51 =	vor.u32 v5, v17;
	v34 =	vld.idx.msk [tilespmem:v34+s2+$0x0], $0xffff;
	[tilespmem:s25+$0xFFFFFE60] =	vst v25  }
0x1e5: {  	v22 =	vld.idx.msk [tilespmem:v23+s2+$0x0], $0xffff;
	v23 =	vor.u32 v5, v18;
	[tilespmem:s25+$0xFFFFFEF0] =	vst v27  }
0x1e6: {  	v27 =	vor.u32 v5, v19;
	v25 =	vld.idx.msk [tilespmem:v47+s2+$0x0], $0xffff;
	[tilespmem:s25+$0xFFFFFE90] =	vst v26  }
0x1e7: {  	v52 =	vor.u32 v5, v14;
	v26 =	vld.idx.msk [tilespmem:v49+s2+$0x0], $0xffff;
	[tilespmem:s25+$0xFFFFFEA0] =	vst v48  }
0x1e8: {  	v56 =	vor.u32 v5, v15;
	[tilespmem:s25+$0xFFFFFEB0] =	vst v50;
	v24 =	vld.idx.msk [tilespmem:v46+s2+$0x0], $0xffff  }
0x1e9: {  	v54 =	vor.u32 v5, v20;
	[tilespmem:s25+$0xFFFFFED0] =	vst v34;
	v55 =	vld.idx.msk [tilespmem:v51+s2+$0x0], $0xffff  }
0x1ea: {  	v57 =	vor.u32 v5, v16;
	v23 =	vld.idx.msk [tilespmem:v23+s2+$0x0], $0xffff;
	[tilespmem:s25+$0xFFFFFEC0] =	vst v22  }
0x1eb: {  	v53 =	vor.u32 v8, v21;
	v22 =	vld.idx.msk [tilespmem:v27+s2+$0x0], $0xffff;
	[tilespmem:s25+$0xFFFFFE80] =	vst v25  }
0x1ec: {  	v27 =	vor.u32 v8, v17;
	v30 =	vld.idx.msk [tilespmem:v52+s2+$0x0], $0xffff;
	[tilespmem:s25+$0xFFFFFEE0] =	vst v26  }
0x1ed: {  	v26 =	vld.idx.msk [tilespmem:v56+s2+$0x0], $0xffff;
	[tilespmem:s25+$0xFFFFFF70] =	vst v24;
	v24 =	vor.u32 v8, v18  }
0x1ee: {  	v58 =	vor.u32 v8, v19;
	v32 =	vld.idx.msk [tilespmem:v54+s2+$0x0], $0xffff  }
0x1ef: {  	v62 =	vor.u32 v8, v14;
	[tilespmem:s25+$0xFFFFFF10] =	vst v55;
	v61 =	vld.idx.msk [tilespmem:v57+s2+$0x0], $0xffff  }
0x1f0: {  	v25 =	vld.idx.msk [tilespmem:v53+s2+$0x0], $0xffff;
	[tilespmem:s25+$0xFFFFFF20] =	vst v23  }
0x1f1: {  	v60 =	vor.u32 v8, v20;
	v23 =	vld.idx.msk [tilespmem:v27+s2+$0x0], $0xffff;
	[tilespmem:s25+$0xFFFFFF30] =	vst v22  }
0x1f2: {  	v59 =	vor.u32 v10, v21;
	[tilespmem:s25+$0xFFFFFF40] =	vst v30;
	v22 =	vld.idx.msk [tilespmem:v24+s2+$0x0], $0xffff  }
0x1f3: {  	v27 =	vor.u32 v8, v15;
	[tilespmem:s25+$0xFFFFFF50] =	vst v26;
	v31 =	vld.idx.msk [tilespmem:v58+s2+$0x0], $0xffff  }
0x1f4: {  	s26 =	simm.s32 $0x2AC0;
	v24 =	vor.u32 v8, v16;
	[tilespmem:s25+$0xFFFFFF00] =	vst v32;
	v26 =	vld.idx.msk [tilespmem:v62+s2+$0x0], $0xffff  }
0x1f5: {  	v58 =	vld [tilespmem:s26+$0x0];
	[tilespmem:s25+$0xFFFFFFF0] =	vst v25;
	v25 =	vor.u32 v10, v17  }
0x1f6: {  	v36 =	vor.u32 v10, v18;
	v37 =	vld.idx.msk [tilespmem:v60+s2+$0x0], $0xffff  }
0x1f7: {  	v40 =	vor.u32 v10, v19;
	v63 =	vld.idx.msk [tilespmem:v59+s2+$0x0], $0xffff  }
0x1f8: {  	[tilespmem:s25+$0xFFFFFF60] =	vst v61;
	v27 =	vld.idx.msk [tilespmem:v27+s2+$0x0], $0xffff  }
0x1f9: {  	v39 =	vor.u32 v10, v20;
	[tilespmem:s25+$0xFFFFFF90] =	vst v23;
	v23 =	vld.idx.msk [tilespmem:v24+s2+$0x0], $0xffff  }
0x1fa: {  	v38 =	vor.u32 v11, v21;
	[tilespmem:s25+$0xFFFFFFA0] =	vst v22;
	v22 =	vld.idx.msk [tilespmem:v25+s2+$0x0], $0xffff  }
0x1fb: {  	v24 =	vor.u32 v10, v14;
	[tilespmem:s25+$0xFFFFFFB0] =	vst v31;
	v33 =	vld.idx.msk [tilespmem:v36+s2+$0x0], $0xffff  }
0x1fc: {  	[tilespmem:s25+$0xFFFFFFC0] =	vst v26;
	v25 =	vor.u32 v10, v15;
	v26 =	vld.idx.msk [tilespmem:v40+s2+$0x0], $0xffff  }
0x1fd: {  	v41 =	vor.u32 v10, v16;
	[tilespmem:s25+$0xFFFFFF80] =	vst v37;
	v36 =	vld [tilespmem:s26+$0xFFFFFFC0]  }
0x1fe: {  	v42 =	vor.u32 v11, v17;
	[tilespmem:s25+$0x70] =	vst v63;
	v43 =	vld.idx.msk [tilespmem:v39+s2+$0x0], $0xffff  }
0x1ff: {  	v45 =	vor.u32 v11, v20;
	v29 =	vld.idx.msk [tilespmem:v38+s2+$0x0], $0xffff;
	[tilespmem:s25+$0xFFFFFFD0] =	vst v27  }
0x200: {  	v44 =	vor.u32 v12, v21;
	v24 =	vld.idx.msk [tilespmem:v24+s2+$0x0], $0xffff;
	[tilespmem:s25+$0xFFFFFFE0] =	vst v23  }
0x201: {  	v27 =	vor.u32 v11, v18;
	v23 =	vld.idx.msk [tilespmem:v25+s2+$0x0], $0xffff;
	[tilespmem:s25+$0x10] =	vst v22  }
0x202: {  	v25 =	vor.u32 v11, v19;
	v22 =	vld.idx.msk [tilespmem:v41+s2+$0x0], $0xffff;
	[tilespmem:s25+$0x20] =	vst v33  }
0x203: {  	v46 =	vor.u32 v11, v14;
	v30 =	vld.idx.msk [tilespmem:v42+s2+$0x0], $0xffff;
	[tilespmem:s25+$0x0] =	vst v43  }
0x204: {  	v47 =	vor.u32 v11, v15;
	[tilespmem:s25+$0xF0] =	vst v29;
	v49 =	vld.idx.msk [tilespmem:v45+s2+$0x0], $0xffff  }
0x205: {  	v48 =	vor.u32 v11, v16;
	[tilespmem:s25+$0x30] =	vst v26;
	v28 =	vld.idx.msk [tilespmem:v44+s2+$0x0], $0xffff  }
0x206: {  	v26 =	vld.idx.msk [tilespmem:v27+s2+$0x0], $0xffff;
	v27 =	vor.u32 v12, v20;
	[tilespmem:s25+$0x40] =	vst v24  }
0x207: {  	v21 =	vor.u32 v13, v21;
	v24 =	vld.idx.msk [tilespmem:v25+s2+$0x0], $0xffff;
	[tilespmem:s25+$0x50] =	vst v23  }
0x208: {  	v25 =	vor.u32 v12, v17;
	v23 =	vld.idx.msk [tilespmem:v46+s2+$0x0], $0xffff;
	[tilespmem:s25+$0x60] =	vst v22  }
0x209: {  	v50 =	vor.u32 v12, v18;
	v22 =	vld.idx.msk [tilespmem:v47+s2+$0x0], $0xffff;
	[tilespmem:s25+$0x90] =	vst v30  }
0x20a: {  	v51 =	vor.u32 v12, v19;
	v31 =	vld.idx.msk [tilespmem:v48+s2+$0x0], $0xffff;
	[tilespmem:s25+$0x80] =	vst v49  }
0x20b: {  	v52 =	vor.u32 v12, v14;
	[tilespmem:s25+$0x170] =	vst v28;
	v27 =	vld.idx.msk [tilespmem:v27+s2+$0x0], $0xffff  }
0x20c: {  	v54 =	vor.u32 v12, v16;
	[tilespmem:s25+$0xA0] =	vst v26;
	v53 =	vld.idx.msk [tilespmem:v21+s2+$0x0], $0xffff  }
0x20d: {  	v21 =	vor.u32 v12, v15;
	v25 =	vld.idx.msk [tilespmem:v25+s2+$0x0], $0xffff;
	[tilespmem:s25+$0xB0] =	vst v24  }
0x20e: {  	v20 =	vor.u32 v13, v20;
	v24 =	vld.idx.msk [tilespmem:v50+s2+$0x0], $0xffff;
	[tilespmem:s25+$0xC0] =	vst v23  }
0x20f: {  	v23 =	vld.idx.msk [tilespmem:v51+s2+$0x0], $0xffff;
	[tilespmem:s25+$0xD0] =	vst v22  }
0x210: {  	v22 =	vld.idx.msk [tilespmem:v52+s2+$0x0], $0xffff;
	[tilespmem:s25+$0xE0] =	vst v31  }
0x211: {  	v17 =	vor.u32 v13, v17;
	[tilespmem:s25+$0x100] =	vst v27;
	v27 =	vld.idx.msk [tilespmem:v54+s2+$0x0], $0xffff  }
0x212: {  	v18 =	vor.u32 v13, v18;
	v26 =	vld.idx.msk [tilespmem:v21+s2+$0x0], $0xffff  }
0x213: {  	v55 =	vld.idx.msk [tilespmem:v20+s2+$0x0], $0xffff  }
0x214: {  	v20 =	vld [tilespmem:s26+$0xFFFFFFE0];
	[tilespmem:s25+$0x110] =	vst v25  }
0x215: {  	[tilespmem:s25+$0x120] =	vst v24;
	v24 =	vld [tilespmem:s26+$0xFFFFFFF0]  }
0x216: {  	v25 =	vld.idx.msk [tilespmem:v17+s2+$0x0], $0xffff  }
0x217: {  	v19 =	vor.u32 v13, v19;
	v56 =	vld.idx.msk [tilespmem:v18+s2+$0x0], $0xffff  }
0x218: {  	v14 =	vor.u32 v13, v14;
	v17 =	vld [tilespmem:s26+$0x30]  }
0x219: {  	v16 =	vor.u32 v13, v16;
	[tilespmem:s25+$0x130] =	vst v23;
	v18 =	vld [tilespmem:s26+$0xFFFFFFD0]  }
0x21a: {  	v60 =	vld [tilespmem:s26+$0x20];
	v15 =	vor.u32 v13, v15;
	[tilespmem:s25+$0x140] =	vst v22;
	v21 =	vshll.u32 v20, $0xA  }
0x21b: {  	v59 =	vld [tilespmem:s26+$0x10];
	[tilespmem:s25+$0x150] =	vst v26;
	v26 =	vor.u32 v0, v21;
	v22 =	vshll.u32 v24, $0xA  }
0x21c: {  	v57 =	vld.idx.msk [tilespmem:v19+s2+$0x0], $0xffff;
	[tilespmem:s25+$0x160] =	vst v27;
	v24 =	vshll.u32 v36, $0xA;
	v27 =	vor.u32 v0, v22  }
0x21d: {  	v14 =	vld.idx.msk [tilespmem:v14+s2+$0x0], $0xffff;
	v23 =	vshll.u32 v17, $0xA;
	[tilespmem:s25+$0x190] =	vst v25;
	v25 =	vor.u32 v0, v24  }
0x21e: {  	v16 =	vld.idx.msk [tilespmem:v16+s2+$0x0], $0xffff;
	v19 =	vshll.u32 v18, $0xA;
	v35 =	vor.u32 v0, v23  }
0x21f: {  	v15 =	vld.idx.msk [tilespmem:v15+s2+$0x0], $0xffff;
	v18 =	vshll.u32 v58, $0xA;
	v37 =	vor.u32 v0, v19  }
0x220: {  	v17 =	vshll.u32 v59, $0xA;
	v31 =	vor.u32 v0, v18;
	v26 =	vld.idx.msk [tilespmem:v26+s2+$0x0], $0xffff  }
0x221: {  	v20 =	vshll.u32 v60, $0xA;
	v32 =	vor.u32 v0, v17;
	v27 =	vld.idx.msk [tilespmem:v27+s2+$0x0], $0xffff  }
0x222: {  	[tilespmem:s25+$0x1F0] =	vst v53;
	v63 =	vor.u32 v0, v20;
	v25 =	vld.idx.msk [tilespmem:v25+s2+$0x0], $0xffff  }
0x223: {  	[tilespmem:s25+$0x180] =	vst v55;
	v42 =	vor.u32 v3, v21;
	v61 =	vld.idx.msk [tilespmem:v35+s2+$0x0], $0xffff  }
0x224: {  	[tilespmem:s25+$0x1A0] =	vst v56;
	v43 =	vor.u32 v3, v22;
	v62 =	vld.idx.msk [tilespmem:v37+s2+$0x0], $0xffff  }
0x225: {  	s26 =	simm.s32 $0x8A00;
	v41 =	vor.u32 v3, v19;
	[tilespmem:s25+$0x1B0] =	vst v57;
	v31 =	vld.idx.msk [tilespmem:v31+s2+$0x0], $0xffff  }
0x226: {  	v40 =	vor.u32 v3, v23;
	v32 =	vld.idx.msk [tilespmem:v32+s2+$0x0], $0xffff;
	[tilespmem:s26+$0xFFFFFE20] =	vst v26  }
0x227: {  	v46 =	vor.u32 v3, v24;
	v35 =	vld.idx.msk [tilespmem:v63+s2+$0x0], $0xffff;
	[tilespmem:s26+$0xFFFFFE30] =	vst v27  }
0x228: {  	v44 =	vor.u32 v3, v18;
	v30 =	vld.idx.msk [tilespmem:v42+s2+$0x0], $0xffff;
	[tilespmem:s26+$0xFFFFFE00] =	vst v25  }
0x229: {  	v45 =	vor.u32 v3, v17;
	[tilespmem:s26+$0xFFFFFE10] =	vst v62;
	v36 =	vld.idx.msk [tilespmem:v43+s2+$0x0], $0xffff  }
0x22a: {  	v47 =	vor.u32 v3, v20;
	[tilespmem:s26+$0xFFFFFE70] =	vst v61;
	v26 =	vld.idx.msk [tilespmem:v41+s2+$0x0], $0xffff  }
0x22b: {  	v50 =	vor.u32 v5, v22;
	[tilespmem:s26+$0xFFFFFE40] =	vst v31;
	v28 =	vld.idx.msk [tilespmem:v40+s2+$0x0], $0xffff  }
0x22c: {  	v27 =	vor.u32 v5, v23;
	[tilespmem:s26+$0xFFFFFE50] =	vst v32;
	v29 =	vld.idx.msk [tilespmem:v46+s2+$0x0], $0xffff  }
0x22d: {  	v49 =	vor.u32 v5, v21;
	[tilespmem:s26+$0xFFFFFE60] =	vst v35;
	v34 =	vld.idx.msk [tilespmem:v44+s2+$0x0], $0xffff  }
0x22e: {  	v52 =	vor.u32 v5, v24;
	v33 =	vld.idx.msk [tilespmem:v45+s2+$0x0], $0xffff;
	[tilespmem:s26+$0xFFFFFEB0] =	vst v36  }
0x22f: {  	v48 =	vor.u32 v5, v19;
	[tilespmem:s26+$0xFFFFFE90] =	vst v26;
	v26 =	vld.idx.msk [tilespmem:v47+s2+$0x0], $0xffff  }
0x230: {  	v53 =	vor.u32 v5, v17;
	[tilespmem:s26+$0xFFFFFEF0] =	vst v28;
	v28 =	vld.idx.msk [tilespmem:v50+s2+$0x0], $0xffff  }
0x231: {  	[tilespmem:s26+$0xFFFFFEA0] =	vst v30;
	v25 =	vld.idx.msk [tilespmem:v27+s2+$0x0], $0xffff;
	v27 =	vor.u32 v5, v18  }
0x232: {  	v54 =	vor.u32 v5, v20;
	v35 =	vld.idx.msk [tilespmem:v49+s2+$0x0], $0xffff;
	[tilespmem:s26+$0xFFFFFE80] =	vst v29  }
0x233: {  	v57 =	vor.u32 v8, v22;
	[tilespmem:s26+$0xFFFFFEC0] =	vst v34;
	v31 =	vld.idx.msk [tilespmem:v52+s2+$0x0], $0xffff  }
0x234: {  	v59 =	vor.u32 v8, v24;
	[tilespmem:s26+$0xFFFFFED0] =	vst v33;
	v32 =	vld.idx.msk [tilespmem:v48+s2+$0x0], $0xffff  }
0x235: {  	v51 =	vor.u32 v8, v23;
	[tilespmem:s26+$0xFFFFFEE0] =	vst v26;
	v26 =	vld.idx.msk [tilespmem:v53+s2+$0x0], $0xffff  }
0x236: {  	v55 =	vor.u32 v8, v19;
	[tilespmem:s26+$0xFFFFFF30] =	vst v28;
	v27 =	vld.idx.msk [tilespmem:v27+s2+$0x0], $0xffff  }
0x237: {  	[tilespmem:s26+$0xFFFFFF70] =	vst v25;
	v25 =	vor.u32 v8, v21;
	v34 =	vld.idx.msk [tilespmem:v54+s2+$0x0], $0xffff  }
0x238: {  	v61 =	vor.u32 v8, v17;
	[tilespmem:s26+$0xFFFFFF00] =	vst v31;
	v30 =	vld.idx.msk [tilespmem:v57+s2+$0x0], $0xffff  }
0x239: {  	v60 =	vor.u32 v8, v18;
	[tilespmem:s26+$0xFFFFFF20] =	vst v35;
	v36 =	vld.idx.msk [tilespmem:v59+s2+$0x0], $0xffff  }
0x23a: {  	v42 =	vor.u32 v10, v24;
	[tilespmem:s26+$0xFFFFFF10] =	vst v32;
	v56 =	vld.idx.msk [tilespmem:v51+s2+$0x0], $0xffff  }
0x23b: {  	v58 =	vor.u32 v10, v23;
	v33 =	vld.idx.msk [tilespmem:v55+s2+$0x0], $0xffff;
	[tilespmem:s26+$0xFFFFFF50] =	vst v26  }
0x23c: {  	v62 =	vor.u32 v10, v19;
	v25 =	vld.idx.msk [tilespmem:v25+s2+$0x0], $0xffff;
	[tilespmem:s26+$0xFFFFFF40] =	vst v27  }
0x23d: {  	v27 =	vor.u32 v8, v20;
	[tilespmem:s26+$0xFFFFFF60] =	vst v34;
	v28 =	vld.idx.msk [tilespmem:v61+s2+$0x0], $0xffff  }
0x23e: {  	v40 =	vor.u32 v10, v21;
	[tilespmem:s26+$0xFFFFFF80] =	vst v36;
	v26 =	vld.idx.msk [tilespmem:v60+s2+$0x0], $0xffff  }
0x23f: {  	v43 =	vor.u32 v10, v22;
	[tilespmem:s26+$0xFFFFFFF0] =	vst v56;
	v35 =	vld.idx.msk [tilespmem:v42+s2+$0x0], $0xffff  }
0x240: {  	v44 =	vor.u32 v10, v17;
	[tilespmem:s26+$0xFFFFFF90] =	vst v33;
	v63 =	vld.idx.msk [tilespmem:v58+s2+$0x0], $0xffff  }
0x241: {  	v41 =	vor.u32 v11, v23;
	[tilespmem:s26+$0xFFFFFFB0] =	vst v30;
	v29 =	vld.idx.msk [tilespmem:v62+s2+$0x0], $0xffff  }
0x242: {  	v46 =	vor.u32 v11, v19;
	[tilespmem:s26+$0xFFFFFFA0] =	vst v25;
	v25 =	vld.idx.msk [tilespmem:v27+s2+$0x0], $0xffff  }
0x243: {  	v48 =	vor.u32 v11, v24;
	[tilespmem:s26+$0xFFFFFFD0] =	vst v28;
	v32 =	vld.idx.msk [tilespmem:v40+s2+$0x0], $0xffff  }
0x244: {  	v27 =	vor.u32 v10, v18;
	[tilespmem:s26+$0xFFFFFFC0] =	vst v26;
	v26 =	vld.idx.msk [tilespmem:v43+s2+$0x0], $0xffff  }
0x245: {  	v45 =	vor.u32 v10, v20;
	v49 =	vld.idx.msk [tilespmem:v44+s2+$0x0], $0xffff;
	[tilespmem:s26+$0x70] =	vst v63  }
0x246: {  	v52 =	vor.u32 v11, v17;
	[tilespmem:s26+$0x10] =	vst v29;
	v34 =	vld.idx.msk [tilespmem:v41+s2+$0x0], $0xffff  }
0x247: {  	v47 =	vor.u32 v12, v23;
	[tilespmem:s26+$0x0] =	vst v35;
	v36 =	vld.idx.msk [tilespmem:v46+s2+$0x0], $0xffff  }
0x248: {  	v54 =	vor.u32 v12, v19;
	v33 =	vld.idx.msk [tilespmem:v48+s2+$0x0], $0xffff;
	[tilespmem:s26+$0xFFFFFFE0] =	vst v25  }
0x249: {  	v27 =	vld.idx.msk [tilespmem:v27+s2+$0x0], $0xffff;
	v25 =	vor.u32 v11, v21;
	[tilespmem:s26+$0x30] =	vst v26  }
0x24a: {  	v50 =	vor.u32 v11, v22;
	v31 =	vld.idx.msk [tilespmem:v45+s2+$0x0], $0xffff;
	[tilespmem:s26+$0x50] =	vst v49  }
0x24b: {  	v51 =	vor.u32 v11, v18;
	v57 =	vld.idx.msk [tilespmem:v52+s2+$0x0], $0xffff;
	[tilespmem:s26+$0xF0] =	vst v34  }
0x24c: {  	v26 =	vor.u32 v12, v24;
	[tilespmem:s26+$0x90] =	vst v36;
	v28 =	vld.idx.msk [tilespmem:v47+s2+$0x0], $0xffff  }
0x24d: {  	v53 =	vor.u32 v11, v20;
	[tilespmem:s26+$0x20] =	vst v32;
	v29 =	vld.idx.msk [tilespmem:v54+s2+$0x0], $0xffff  }
0x24e: {  	v60 =	vor.u32 v12, v17;
	[tilespmem:s26+$0x80] =	vst v33;
	v25 =	vld.idx.msk [tilespmem:v25+s2+$0x0], $0xffff  }
0x24f: {  	v23 =	vor.u32 v13, v23;
	[tilespmem:s26+$0x40] =	vst v27;
	v27 =	vld.idx.msk [tilespmem:v50+s2+$0x0], $0xffff  }
0x250: {  	v56 =	vor.u32 v12, v21;
	v55 =	vld.idx.msk [tilespmem:v51+s2+$0x0], $0xffff;
	[tilespmem:s26+$0x60] =	vst v31  }
0x251: {  	v58 =	vor.u32 v12, v22;
	v26 =	vld.idx.msk [tilespmem:v26+s2+$0x0], $0xffff;
	[tilespmem:s26+$0xD0] =	vst v57  }
0x252: {  	v59 =	vor.u32 v12, v18;
	v35 =	vld.idx.msk [tilespmem:v53+s2+$0x0], $0xffff;
	[tilespmem:s26+$0x170] =	vst v28  }
0x253: {  	v63 =	vor.u32 v13, v22;
	v22 =	vld.idx.msk [tilespmem:v60+s2+$0x0], $0xffff;
	[tilespmem:s26+$0xA0] =	vst v25;
	v25 =	vor.u32 v12, v20  }
0x254: {  	v23 =	vld.idx.msk [tilespmem:v23+s2+$0x0], $0xffff;
	[tilespmem:s26+$0xB0] =	vst v27;
	v27 =	vor.u32 v13, v24  }
0x255: {  	v19 =	vor.u32 v13, v19;
	[tilespmem:s26+$0x110] =	vst v29;
	v31 =	vld.idx.msk [tilespmem:v56+s2+$0x0], $0xffff  }
0x256: {  	v62 =	vor.u32 v13, v21;
	[tilespmem:s26+$0xC0] =	vst v55;
	v61 =	vld.idx.msk [tilespmem:v58+s2+$0x0], $0xffff  }
0x257: {  	v28 =	vld.idx.msk [tilespmem:v59+s2+$0x0], $0xffff;
	[tilespmem:s26+$0xE0] =	vst v35  }
0x258: {  	[tilespmem:s26+$0x100] =	vst v26;
	v24 =	vld.idx.msk [tilespmem:v25+s2+$0x0], $0xffff  }
0x259: {  	[tilespmem:s26+$0x1F0] =	vst v23;
	v23 =	vld.idx.msk [tilespmem:v27+s2+$0x0], $0xffff  }
0x25a: {  	v25 =	vld.idx.msk [tilespmem:v19+s2+$0x0], $0xffff;
	[tilespmem:s26+$0x120] =	vst v31  }
0x25b: {  	v21 =	vor.u32 v13, v18;
	[tilespmem:s26+$0x130] =	vst v61;
	v26 =	vld.idx.msk [tilespmem:v62+s2+$0x0], $0xffff  }
0x25c: {  	s28 =	simm.s32 $0x8;
	s29 =	simm.s32 $0x2B40;
	v18 =	vor.u32 v13, v20;
	v19 =	vor.u32 v13, v17;
	v20 =	vld.idx.msk [tilespmem:v63+s2+$0x0], $0xffff;
	[tilespmem:s26+$0x140] =	vst v28  }
.LBB2_9:
0x25d: {  	v17 =	vld [tilespmem:s29+$0x30];
	s28 =	sadd.s32 $0x8, s28;
	[tilespmem:s26+$0x150] =	vst v22  }
0x25e: {  	v22 =	vld [tilespmem:s29+$0xFFFFFFD0];
	p0 =	slt.u32 s28, $0x98;
	[tilespmem:s26+$0x160] =	vst v24  }
0x25f: {  	v24 =	vld [tilespmem:s29+$0xFFFFFFE0];
	[tilespmem:s26+$0x180] =	vst v23  }
0x260: {  	v23 =	vld [tilespmem:s29+$0xFFFFFFF0];
	[tilespmem:s26+$0x190] =	vst v25  }
0x261: {  	v25 =	vld [tilespmem:s29+$0x0];
	[tilespmem:s26+$0x1A0] =	vst v26  }
0x262: {  	v26 =	vld [tilespmem:s29+$0x10];
	v17 =	vshll.u32 v17, $0xA;
	[tilespmem:s26+$0x1B0] =	vst v20  }
0x263: {  	v20 =	vshll.u32 v22, $0xA;
	v22 =	vld [tilespmem:s29+$0x20];
	v27 =	vor.u32 v0, v17;
	[tilespmem:s25+$0x1C0] =	vst v14  }
0x264: {  	v28 =	vld [tilespmem:s29+$0xFFFFFFC0];
	v29 =	vor.u32 v0, v20;
	v30 =	vor.u32 v3, v20;
	v24 =	vshll.u32 v24, $0xA;
	[tilespmem:s25+$0x1D0] =	vst v15  }
0x265: {  	v31 =	vor.u32 v0, v24;
	v32 =	vor.u32 v3, v24;
	v23 =	vshll.u32 v23, $0xA;
	v14 =	vld.idx.msk [tilespmem:v21+s2+$0x0], $0xffff;
	[tilespmem:s25+$0x1E0] =	vst v16;
	s25 =	smov.u32 s26  }
0x266: {  	v21 =	vor.u32 v0, v23;
	v33 =	vor.u32 v3, v23;
	v25 =	vshll.u32 v25, $0xA;
	v15 =	vld.idx.msk [tilespmem:v19+s2+$0x0], $0xffff  }
0x267: {  	v19 =	vor.u32 v0, v25;
	v34 =	vor.u32 v3, v25;
	v26 =	vshll.u32 v26, $0xA;
	v16 =	vld.idx.msk [tilespmem:v18+s2+$0x0], $0xffff  }
0x268: {  	v18 =	vor.u32 v0, v26;
	v35 =	vor.u32 v3, v26;
	v22 =	vshll.u32 v22, $0xA;
	v27 =	vld.idx.msk [tilespmem:v27+s2+$0x0], $0xffff  }
0x269: {  	v28 =	vshll.u32 v28, $0xA;
	v29 =	vld.idx.msk [tilespmem:v29+s2+$0x0], $0xffff;
	v36 =	vor.u32 v0, v22;
	v37 =	vor.u32 v3, v22  }
0x26a: {  	v40 =	vor.u32 v3, v17;
	v38 =	vor.u32 v0, v28;
	v39 =	vor.u32 v3, v28;
	v31 =	vld.idx.msk [tilespmem:v31+s2+$0x0], $0xffff  }
0x26b: {  	v42 =	vor.u32 v5, v20;
	v43 =	vor.u32 v5, v24;
	v41 =	vor.u32 v5, v28;
	v21 =	vld.idx.msk [tilespmem:v21+s2+$0x0], $0xffff  }
0x26c: {  	v44 =	vor.u32 v5, v23;
	v45 =	vor.u32 v5, v25;
	v46 =	vor.u32 v5, v26;
	v19 =	vld.idx.msk [tilespmem:v19+s2+$0x0], $0xffff  }
0x26d: {  	v48 =	vor.u32 v8, v20;
	s26 =	sadd.s32 $0x400, s26;
	v49 =	vor.u32 v5, v22;
	v47 =	vor.u32 v8, v28;
	v18 =	vld.idx.msk [tilespmem:v18+s2+$0x0], $0xffff  }
0x26e: {  	v50 =	vor.u32 v8, v24;
	v51 =	vor.u32 v8, v23;
	v36 =	vld.idx.msk [tilespmem:v36+s2+$0x0], $0xffff;
	[tilespmem:s26+$0xFFFFFE70] =	vst v27  }
0x26f: {  	v27 =	vor.u32 v8, v25;
	[tilespmem:s26+$0xFFFFFE10] =	vst v29;
	v29 =	vor.u32 v8, v26;
	v40 =	vld.idx.msk [tilespmem:v40+s2+$0x0], $0xffff  }
0x270: {  	v52 =	vor.u32 v10, v28;
	v38 =	vld.idx.msk [tilespmem:v38+s2+$0x0], $0xffff;
	[tilespmem:s26+$0xFFFFFE20] =	vst v31;
	v31 =	vor.u32 v8, v22  }
0x271: {  	v53 =	vor.u32 v10, v20;
	v30 =	vld.idx.msk [tilespmem:v30+s2+$0x0], $0xffff;
	[tilespmem:s26+$0xFFFFFE30] =	vst v21;
	v21 =	vor.u32 v5, v17  }
0x272: {  	v54 =	vor.u32 v10, v24;
	v55 =	vor.u32 v10, v23;
	v32 =	vld.idx.msk [tilespmem:v32+s2+$0x0], $0xffff;
	[tilespmem:s26+$0xFFFFFE40] =	vst v19  }
0x273: {  	v56 =	vor.u32 v10, v26;
	v19 =	vld.idx.msk [tilespmem:v33+s2+$0x0], $0xffff;
	v33 =	vor.u32 v10, v25;
	[tilespmem:s26+$0xFFFFFE50] =	vst v18  }
0x274: {  	v57 =	vor.u32 v11, v28;
	v18 =	vld.idx.msk [tilespmem:v34+s2+$0x0], $0xffff;
	[tilespmem:s26+$0xFFFFFE60] =	vst v36;
	v34 =	vor.u32 v10, v22  }
0x275: {  	v58 =	vor.u32 v11, v24;
	v36 =	vor.u32 v11, v20;
	v35 =	vld.idx.msk [tilespmem:v35+s2+$0x0], $0xffff;
	[tilespmem:s26+$0xFFFFFEF0] =	vst v40  }
0x276: {  	v40 =	vor.u32 v11, v25;
	[tilespmem:s26+$0xFFFFFE00] =	vst v38;
	v38 =	vor.u32 v11, v23;
	v21 =	vld.idx.msk [tilespmem:v21+s2+$0x0], $0xffff  }
0x277: {  	v59 =	vor.u32 v11, v22;
	v39 =	vld.idx.msk [tilespmem:v39+s2+$0x0], $0xffff;
	[tilespmem:s26+$0xFFFFFE90] =	vst v30;
	v30 =	vor.u32 v11, v26  }
0x278: {  	v60 =	vor.u32 v12, v28;
	[tilespmem:s26+$0xFFFFFEA0] =	vst v32;
	v32 =	vld.idx.msk [tilespmem:v37+s2+$0x0], $0xffff;
	v37 =	vor.u32 v8, v17  }
0x279: {  	v61 =	vor.u32 v12, v20;
	v62 =	vor.u32 v12, v24;
	v42 =	vld.idx.msk [tilespmem:v42+s2+$0x0], $0xffff;
	[tilespmem:s26+$0xFFFFFEB0] =	vst v19  }
0x27a: {  	v63 =	vor.u32 v12, v23;
	v4 =	vor.u32 v12, v25;
	v43 =	vld.idx.msk [tilespmem:v43+s2+$0x0], $0xffff;
	[tilespmem:s26+$0xFFFFFEC0] =	vst v18  }
0x27b: {  	v7 =	vor.u32 v12, v22;
	v44 =	vld.idx.msk [tilespmem:v44+s2+$0x0], $0xffff;
	[tilespmem:s26+$0xFFFFFED0] =	vst v35;
	v35 =	vor.u32 v12, v26  }
0x27c: {  	v28 =	vor.u32 v13, v28;
	v20 =	vor.u32 v13, v20;
	v45 =	vld.idx.msk [tilespmem:v45+s2+$0x0], $0xffff;
	[tilespmem:s26+$0xFFFFFF70] =	vst v21  }
0x27d: {  	v9 =	vor.u32 v13, v23;
	[tilespmem:s26+$0xFFFFFE80] =	vst v39;
	v39 =	vor.u32 v13, v24;
	v23 =	vld.idx.msk [tilespmem:v37+s2+$0x0], $0xffff  }
0x27e: {  	v19 =	vor.u32 v13, v26;
	v21 =	vor.u32 v13, v25;
	v24 =	vld.idx.msk [tilespmem:v41+s2+$0x0], $0xffff;
	[tilespmem:s26+$0xFFFFFEE0] =	vst v32  }
0x27f: {  	v18 =	vor.u32 v13, v22;
	v22 =	vor.u32 v10, v17;
	[tilespmem:s26+$0xFFFFFF10] =	vst v42;
	v25 =	vld.idx.msk [tilespmem:v46+s2+$0x0], $0xffff  }
0x280: {  	[tilespmem:s26+$0xFFFFFF20] =	vst v43;
	v26 =	vld.idx.msk [tilespmem:v49+s2+$0x0], $0xffff  }
0x281: {  	v32 =	vld.idx.msk [tilespmem:v48+s2+$0x0], $0xffff;
	[tilespmem:s26+$0xFFFFFF30] =	vst v44  }
0x282: {  	v37 =	vld.idx.msk [tilespmem:v50+s2+$0x0], $0xffff;
	[tilespmem:s26+$0xFFFFFF40] =	vst v45  }
0x283: {  	v41 =	vld.idx.msk [tilespmem:v51+s2+$0x0], $0xffff;
	[tilespmem:s26+$0xFFFFFFF0] =	vst v23  }
0x284: {  	[tilespmem:s26+$0xFFFFFF00] =	vst v24;
	v22 =	vld.idx.msk [tilespmem:v22+s2+$0x0], $0xffff  }
0x285: {  	v23 =	vld.idx.msk [tilespmem:v47+s2+$0x0], $0xffff;
	[tilespmem:s26+$0xFFFFFF50] =	vst v25  }
0x286: {  	v25 =	vor.u32 v11, v17;
	v24 =	vld.idx.msk [tilespmem:v27+s2+$0x0], $0xffff;
	[tilespmem:s26+$0xFFFFFF60] =	vst v26  }
0x287: {  	[tilespmem:s26+$0xFFFFFF90] =	vst v32;
	v26 =	vld.idx.msk [tilespmem:v29+s2+$0x0], $0xffff  }
0x288: {  	[tilespmem:s26+$0xFFFFFFA0] =	vst v37;
	v27 =	vld.idx.msk [tilespmem:v31+s2+$0x0], $0xffff  }
0x289: {  	v29 =	vld.idx.msk [tilespmem:v53+s2+$0x0], $0xffff;
	[tilespmem:s26+$0xFFFFFFB0] =	vst v41  }
0x28a: {  	v31 =	vld.idx.msk [tilespmem:v54+s2+$0x0], $0xffff;
	[tilespmem:s26+$0x70] =	vst v22  }
0x28b: {  	[tilespmem:s26+$0xFFFFFF80] =	vst v23;
	v22 =	vld.idx.msk [tilespmem:v25+s2+$0x0], $0xffff  }
0x28c: {  	v23 =	vld.idx.msk [tilespmem:v52+s2+$0x0], $0xffff;
	[tilespmem:s26+$0xFFFFFFC0] =	vst v24  }
0x28d: {  	v25 =	vor.u32 v12, v17;
	v24 =	vld.idx.msk [tilespmem:v55+s2+$0x0], $0xffff;
	[tilespmem:s26+$0xFFFFFFD0] =	vst v26  }
0x28e: {  	v26 =	vld.idx.msk [tilespmem:v33+s2+$0x0], $0xffff;
	[tilespmem:s26+$0xFFFFFFE0] =	vst v27  }
0x28f: {  	[tilespmem:s26+$0x10] =	vst v29;
	v27 =	vld.idx.msk [tilespmem:v56+s2+$0x0], $0xffff  }
0x290: {  	[tilespmem:s26+$0x20] =	vst v31;
	v29 =	vld.idx.msk [tilespmem:v34+s2+$0x0], $0xffff  }
0x291: {  	v31 =	vld.idx.msk [tilespmem:v36+s2+$0x0], $0xffff;
	[tilespmem:s26+$0xF0] =	vst v22  }
0x292: {  	[tilespmem:s26+$0x0] =	vst v23;
	v22 =	vld.idx.msk [tilespmem:v25+s2+$0x0], $0xffff  }
0x293: {  	v23 =	vld.idx.msk [tilespmem:v57+s2+$0x0], $0xffff;
	[tilespmem:s26+$0x30] =	vst v24  }
0x294: {  	v17 =	vor.u32 v13, v17;
	v24 =	vld.idx.msk [tilespmem:v58+s2+$0x0], $0xffff;
	[tilespmem:s26+$0x40] =	vst v26  }
0x295: {  	v25 =	vld.idx.msk [tilespmem:v38+s2+$0x0], $0xffff;
	[tilespmem:s26+$0x50] =	vst v27  }
0x296: {  	v26 =	vld.idx.msk [tilespmem:v40+s2+$0x0], $0xffff;
	[tilespmem:s26+$0x60] =	vst v29  }
0x297: {  	[tilespmem:s26+$0x90] =	vst v31;
	v27 =	vld.idx.msk [tilespmem:v30+s2+$0x0], $0xffff  }
0x298: {  	v29 =	vld.idx.msk [tilespmem:v59+s2+$0x0], $0xffff;
	[tilespmem:s26+$0x170] =	vst v22  }
0x299: {  	[tilespmem:s26+$0x80] =	vst v23;
	v17 =	vld.idx.msk [tilespmem:v17+s2+$0x0], $0xffff  }
0x29a: {  	v23 =	vld.idx.msk [tilespmem:v60+s2+$0x0], $0xffff;
	[tilespmem:s26+$0xA0] =	vst v24  }
0x29b: {  	v30 =	vld.idx.msk [tilespmem:v61+s2+$0x0], $0xffff;
	[tilespmem:s26+$0xB0] =	vst v25  }
0x29c: {  	v31 =	vld.idx.msk [tilespmem:v62+s2+$0x0], $0xffff;
	[tilespmem:s26+$0xC0] =	vst v26  }
0x29d: {  	v32 =	vld.idx.msk [tilespmem:v63+s2+$0x0], $0xffff;
	[tilespmem:s26+$0xD0] =	vst v27  }
0x29e: {  	v4 =	vld.idx.msk [tilespmem:v4+s2+$0x0], $0xffff;
	[tilespmem:s26+$0xE0] =	vst v29  }
0x29f: {  	v22 =	vld.idx.msk [tilespmem:v35+s2+$0x0], $0xffff;
	[tilespmem:s26+$0x1F0] =	vst v17  }
.Ltmp6:
0x2a0: {  	[tilespmem:s26+$0x100] =	vst v23;
	v24 =	vld.idx.msk [tilespmem:v7+s2+$0x0], $0xffff;
	(pc) =	sbr.rel @p0 .LBB2_9-.Ltmp6, $4  }
0x2a1: {  	v23 =	vld.idx.msk [tilespmem:v28+s2+$0x0], $0xffff;
	[tilespmem:s26+$0x110] =	vst v30  }
0x2a2: {  	v25 =	vld.idx.msk [tilespmem:v20+s2+$0x0], $0xffff;
	[tilespmem:s26+$0x120] =	vst v31  }
0x2a3: {  	v26 =	vld.idx.msk [tilespmem:v39+s2+$0x0], $0xffff;
	[tilespmem:s26+$0x130] =	vst v32  }
0x2a4: {  	s29 =	sadd.s32 $0x80, s29;
	v20 =	vld.idx.msk [tilespmem:v9+s2+$0x0], $0xffff;
	[tilespmem:s26+$0x140] =	vst v4  }
0x2a5: {  	[tilespmem:s26+$0x150] =	vst v22  }
0x2a6: {  	[tilespmem:s26+$0x160] =	vst v24  }
0x2a7: {  	[tilespmem:s25+$0x1C0] =	vst v14  }
0x2a8: {  	[tilespmem:s25+$0x1D0] =	vst v15  }
0x2a9: {  	v3 =	vld.idx.msk [tilespmem:v21+s2+$0x0], $0xffff;
	[tilespmem:s25+$0x1E0] =	vst v16  }
0x2aa: {  	[tilespmem:s26+$0x180] =	vst v23;
	v4 =	vld.idx.msk [tilespmem:v19+s2+$0x0], $0xffff  }
0x2ab: {  	v5 =	vld.idx.msk [tilespmem:v18+s2+$0x0], $0xffff;
	[tilespmem:s26+$0x190] =	vst v25  }
0x2ac: {  	p0 =	seq.s32 s23, $0x4;
	[tilespmem:s26+$0x1A0] =	vst v26  }
.Ltmp7:
0x2ad: {  	[tilespmem:s26+$0x1B0] =	vst v20;
	(pc) =	sbr.rel @p0 .LBB2_12-.Ltmp7, $4  }
0x2ae: {  	[tilespmem:s26+$0x1C0] =	vst v3  }
0x2af: {  	[tilespmem:s26+$0x1D0] =	vst v4  }
0x2b0: {  	s31 =	sadd.s32 s24, s9;
	[tilespmem:s26+$0x1E0] =	vst v5  }
0x2b1: {  	[hbm4b:s31+s2] =	stream.linear.scatter [tilespmem:s20], [sflag:$0x4], $0x5000, $0x38;
	[tilespmem:$0xD800] =	vst v63  }
.Ltmp8:
0x2b2: {  	(pc) =	sbr.rel .LBB2_2-.Ltmp8, $4  }
0x2b3: {  	s24 =	sadd.s32 s24, s10  }
0x2b4: {  	s24 =	sshrl.u32 s24, $0x3  }
0x2b5: {  	s23 =	sadd.s32 $0x1, s23;
	s24 =	sadd.s32 s3, s24  }
0x2b6: {  	[tilespmem:s15], [sflag:$0x2] =	stream.linear.gather [hbm4b:s24+s2], $0xA00, $0x38;
	[tilespmem:$0xD800] =	vst v63  }
.LBB2_13:
0x2b7: {  	_ =	sfence.sel $0x180000  }
0x2b8: {  	[bflag:$0x0] =	sbarrier.arrive $0xFFFF  }
0x2b9: {  	p0 =	sne.s32 s0, $0x0;
	_ =	strace $0x90000047  }
0x2ba: {  	s0 =	sadd.s32 @!p0 $0x100000, s1;
	[bflag:$0x2] =	sbarrier.arrive $0xFFFF  }
0x2bb: {  	[sflag:s0] =	ssyncadd.tile.s32 @!p0 $0x1;
	_ =	shalt  }
.Lfunc_end2:
_tile_overlayer_lowered:
.L_overlay_start_2:
0x2bc: {  	(tag) =	ssettag $0x2  }
0x2bd: {  	s0 =	rddreg [dreg:$0x0];
	s2 =	stileid.u32  }
0x2be: {  	s1 =	rddreg [dreg:$0x1];
	p0 =	sne.s32 s2, $0x0  }
0x2bf: {  	s3 =	rddreg [dreg:$0x2];
	[bflag:$0x3] =	sbarrier.arrive $0xFFFF;
	s2 =	simm.s32 @!p0 $0x1C05  }
0x2c0: {  	[timem:s3], [sflag:s2] =	dma.local @!p0 [hbm:s0], s1  }
0x2c1: {  	s0 =	simm.s32 @!p0 $0x5  }
0x2c2: {  	_ =	swait.ge @!p0 [sflag:s0], s1  }
0x2c3: {  	s1 =	ssub.s32 @!p0 $0x0, s1;
	[sflag:s0] =	ssyncset.done @!p0 $0x0  }
0x2c4: {  	[sflag:s0] =	ssyncadd.s32 @!p0 s1  }
0x2c5: {  	[bflag:$0x3] =	sbarrier.arrive $0xFFFF  }
0x2c6: {  	_ =	shalt  }

</sc_bundles>
